<compile_context>
chip_gen: v7x
topology: tpu7x:2x2x1
jax: 0.10.2.dev20260603
libtpu: 0.0.44.dev20260713+nightly
codegen_flags: <defaults>
</compile_context>

<pallas_src>
import functools

import jax
import jax.numpy as jnp
from jax import lax
from jax.experimental import pallas as pl
from jax.experimental.pallas import tpu as pltpu
from jax.experimental.pallas import tpu_sc as plsc

N = 10000
E = 320000
H = 128

NC = 2
NS = 16
CK = 112
NB0 = 90
NB1 = 90
NBD = 90
NBUF = 2
TOTC = NS * (NB0 + NB1)
EPAD = TOTC * CK
ROWS_PER_TILE = 632
NACC = NS * ROWS_PER_TILE
DEG_ROWS = 640
NDEG = NS * DEG_ROWS

_mesh = plsc.VectorSubcoreMesh(core_axis_name="c", subcore_axis_name="s")
_f32 = jnp.float32



@functools.partial(
    pl.kernel,
    mesh=_mesh,
    out_type=(
        jax.ShapeDtypeStruct((NDEG,), _f32),
        jax.ShapeDtypeStruct((NDEG,), _f32),
    ),
    scratch_types=[
        pltpu.VMEM((NBD, CK), jnp.int32),
        pltpu.VMEM((CK,), _f32),
        pltpu.VMEM((DEG_ROWS,), _f32),
        pltpu.VMEM_SHARED((NDEG,), _f32),
    ],
    compiler_params=pltpu.CompilerParams(use_tc_tiling_on_sc=False),
)
def _sc_degree(dstp_hbm, deg0_hbm, deg1_hbm, dst_v, ones_v, zero_v, deg_sh):
    c = lax.axis_index("c")
    s = lax.axis_index("s")
    tid = c * NS + s
    pltpu.sync_copy(dstp_hbm.at[pl.ds(tid * NBD, NBD)], dst_v)
    for k in range(CK // 16):
        ones_v[pl.ds(k * 16, 16)] = jnp.full((16,), 1.0, _f32)
    for k in range(DEG_ROWS // 16):
        zero_v[pl.ds(k * 16, 16)] = jnp.zeros((16,), _f32)
    pltpu.sync_copy(zero_v, deg_sh.at[pl.ds(s * DEG_ROWS, DEG_ROWS)])
    plsc.subcore_barrier()

    def body(j, carry):
        pltpu.sync_copy(ones_v, deg_sh.at[dst_v.at[j]], add=True)
        return carry

    lax.fori_loop(0, NBD, body, 0)
    plsc.subcore_barrier()

    @pl.when(c == 0)
    def _():
        pltpu.sync_copy(deg_sh.at[pl.ds(s * DEG_ROWS, DEG_ROWS)],
                        deg0_hbm.at[pl.ds(s * DEG_ROWS, DEG_ROWS)])

    @pl.when(c == 1)
    def _():
        pltpu.sync_copy(deg_sh.at[pl.ds(s * DEG_ROWS, DEG_ROWS)],
                        deg1_hbm.at[pl.ds(s * DEG_ROWS, DEG_ROWS)])


@functools.partial(
    pl.kernel,
    mesh=_mesh,
    out_type=(
        jax.ShapeDtypeStruct((NACC, H), _f32),
        jax.ShapeDtypeStruct((NACC, H), _f32),
    ),
    scratch_types=[
        pltpu.VMEM((NB1, CK), jnp.int32),
        pltpu.VMEM((NB1, CK), jnp.int32),
        [pltpu.VMEM((CK, H), _f32)] * NBUF,
        pltpu.VMEM_SHARED((NACC, H), _f32),
        [pltpu.SemaphoreType.DMA] * NBUF,
    ],
    compiler_params=pltpu.CompilerParams(use_tc_tiling_on_sc=False),
)
def _sc_propagate(g_hbm, srcp_hbm, dstp_hbm, out0_hbm, out1_hbm,
                  src_v, dst_v, bufs, acc_sh, sems):
    c = lax.axis_index("c")
    s = lax.axis_index("s")
    nb = jnp.where(c == 0, NB0, NB1)
    base = jnp.where(c == 0, s * NB0, NS * NB0 + s * NB1)
    pltpu.sync_copy(srcp_hbm.at[pl.ds(base, NB1)], src_v)
    pltpu.sync_copy(dstp_hbm.at[pl.ds(base, NB1)], dst_v)
    pltpu.sync_copy(g_hbm.at[pl.ds(s * ROWS_PER_TILE, ROWS_PER_TILE)],
                    acc_sh.at[pl.ds(s * ROWS_PER_TILE, ROWS_PER_TILE)])
    plsc.subcore_barrier()

    for b in range(NBUF):
        pltpu.async_copy(g_hbm.at[src_v.at[b]], bufs[b], sems[b])

    def body(i, carry):
        j = i * NBUF
        for b in range(NBUF):
            pltpu.make_async_copy(g_hbm.at[src_v.at[j + b]], bufs[b],
                                  sems[b]).wait()
            pltpu.sync_copy(bufs[b], acc_sh.at[dst_v.at[j + b]], add=True)
            pltpu.async_copy(g_hbm.at[src_v.at[lax.rem(j + NBUF + b, nb)]],
                             bufs[b], sems[b])
        return carry

    lax.fori_loop(0, nb // NBUF, body, 0)
    for b in range(NBUF):
        pltpu.make_async_copy(g_hbm.at[src_v.at[b]], bufs[b], sems[b]).wait()
    plsc.subcore_barrier()

    @pl.when(c == 0)
    def _():
        pltpu.sync_copy(acc_sh.at[pl.ds(s * ROWS_PER_TILE, ROWS_PER_TILE)],
                        out0_hbm.at[pl.ds(s * ROWS_PER_TILE, ROWS_PER_TILE)])

    @pl.when(c == 1)
    def _():
        pltpu.sync_copy(acc_sh.at[pl.ds(s * ROWS_PER_TILE, ROWS_PER_TILE)],
                        out1_hbm.at[pl.ds(s * ROWS_PER_TILE, ROWS_PER_TILE)])



def _pre_body(x_ref, w_ref, d0_ref, d1_ref, g_ref, dinv_ref):
    deg = d0_ref[...] + d1_ref[...] + 1.0
    dinv = lax.rsqrt(jnp.maximum(deg, 1e-12))
    dinv_ref[...] = dinv
    xw = jnp.dot(x_ref[...], w_ref[...], preferred_element_type=_f32)
    g_ref[0:N, :] = xw * dinv


def _mid_body(s0_ref, s1_ref, g1_ref, dinv_ref, b0_ref, gm_ref, bt_ref,
              g2_ref):
    dinv = dinv_ref[...]
    stot = s0_ref[0:N, :] + s1_ref[0:N, :] - g1_ref[0:N, :]
    h1 = stot * dinv + b0_ref[...]
    mu = jnp.mean(h1, axis=0, keepdims=True)
    var = jnp.mean((h1 - mu) ** 2, axis=0, keepdims=True)
    h = jnp.maximum((h1 - mu) * lax.rsqrt(var + 1e-5) * gm_ref[...]
                    + bt_ref[...], 0.0)
    g2_ref[0:N, :] = h * dinv


def _post_body(t0_ref, t1_ref, g2_ref, dinv_ref, wm_ref, bm_ref, wl_ref,
               bl_ref, mu_ref, ls_ref):
    dinv = dinv_ref[...]
    q = (t0_ref[0:N, :] + t1_ref[0:N, :] - g2_ref[0:N, :]) * dinv
    mu_ref[...] = jnp.dot(q, wm_ref[...], preferred_element_type=_f32) \
        + bm_ref[...]
    ls_ref[...] = jnp.dot(q, wl_ref[...], preferred_element_type=_f32) \
        + bl_ref[...]



def kernel(x, edge_index, W0, b0, gamma, beta, W_mu, b_mu, W_ls, b_ls):
    src = edge_index[0]
    dst = edge_index[1]
    pad = EPAD - E
    srcp = jnp.concatenate([src, jnp.zeros((pad,), jnp.int32)])
    srcp = srcp.reshape(TOTC, CK)
    dstp = jnp.concatenate([dst, jnp.full((pad,), N, jnp.int32)])
    dstp = dstp.reshape(TOTC, CK)

    deg0, deg1 = _sc_degree(dstp)
    d0 = deg0[:N].reshape(N, 1)
    d1 = deg1[:N].reshape(N, 1)

    g1, dinv = pl.pallas_call(
        _pre_body,
        out_shape=(jax.ShapeDtypeStruct((NACC, H), _f32),
                   jax.ShapeDtypeStruct((N, 1), _f32)),
    )(x, W0, d0, d1)

    s0, s1 = _sc_propagate(g1, srcp, dstp)

    g2 = pl.pallas_call(
        _mid_body,
        out_shape=jax.ShapeDtypeStruct((NACC, H), _f32),
    )(s0, s1, g1, dinv, b0.reshape(1, H), gamma.reshape(1, H),
      beta.reshape(1, H))

    t0, t1 = _sc_propagate(g2, srcp, dstp)

    mu, ls = pl.pallas_call(
        _post_body,
        out_shape=(jax.ShapeDtypeStruct((N, H), _f32),
                   jax.ShapeDtypeStruct((N, H), _f32)),
    )(t0, t1, g2, dinv, W_mu, b_mu.reshape(1, H), W_ls, b_ls.reshape(1, H))

    return (mu, ls)

# --- scband reference (transcript-rebuilt; emitter-appended) ---
"""Pipeline reference for scband-variational-gcnencoder-80083960201231 (READ-ONLY COPY).

The authoritative reference and input builder live on the scoring server;
editing this copy changes nothing except your own understanding.
"""

import jax, jax.numpy as jnp
import numpy as np

N = 10000
E = 320000
D_IN = 128
H = 128

def _gcn_conv(x, W, b, src, dst, n):
    h = x @ W
    loops = jnp.arange(n, dtype=src.dtype)
    src2 = jnp.concatenate([src, loops])
    dst2 = jnp.concatenate([dst, loops])
    deg = jnp.zeros((n,), x.dtype).at[dst2].add(1.0)
    dinv = jax.lax.rsqrt(jnp.maximum(deg, 1e-12))
    norm = dinv[src2] * dinv[dst2]
    msg = h[src2] * norm[:, None]
    out = jnp.zeros((n, W.shape[1]), x.dtype).at[dst2].add(msg)
    return out + b

def _batchnorm(x, gamma, beta, eps=1e-5):
    mu = jnp.mean(x, axis=0)
    var = jnp.var(x, axis=0)
    return (x - mu) * jax.lax.rsqrt(var + eps) * gamma + beta

def setup_inputs(seed: int = 0):
    key = jax.random.key(seed)
    ks = jax.random.split(key, 10)
    x = jax.random.normal(ks[0], (N, D_IN), jnp.float32)
    edge_index = jax.random.randint(ks[1], (2, E), 0, N, dtype=jnp.int32)
    W0 = jax.random.normal(ks[2], (D_IN, H), jnp.float32) * 0.05
    b0 = jnp.zeros((H,), jnp.float32)
    gamma = jnp.ones((H,), jnp.float32)
    beta = jnp.zeros((H,), jnp.float32)
    W_mu = jax.random.normal(ks[3], (H, H), jnp.float32) * 0.05
    b_mu = jnp.zeros((H,), jnp.float32)
    W_ls = jax.random.normal(ks[4], (H, H), jnp.float32) * 0.05
    b_ls = jnp.zeros((H,), jnp.float32)
    return {"x": x, "edge_index": edge_index, "W0": W0, "b0": b0, "gamma": gamma, "beta": beta, "W_mu": W_mu, "b_mu": b_mu, "W_ls": W_ls, "b_ls": b_ls}

def reference(x, edge_index, W0, b0, gamma, beta, W_mu, b_mu, W_ls, b_ls):
    src = edge_index[0]
    dst = edge_index[1]
    n = x.shape[0]
    h = _gcn_conv(x, W0, b0, src, dst, n)
    h = jax.nn.relu(_batchnorm(h, gamma, beta))
    mu = _gcn_conv(h, W_mu, b_mu, src, dst, n)
    logstd = _gcn_conv(h, W_ls, b_ls, src, dst, n)
    return (mu, logstd)

if __name__ == "__main__":
    import jax
    _d = setup_inputs()
    print(jax.jit(kernel)(*tuple(_d.values())))

</pallas_src>

<mosaic_0001>
#map = affine_map<(d0, d1) -> (0, 0)>
module attributes {stable_mosaic.version = 14 : i64} {
  func.func @_sc_propagate(%arg0: i32, %arg1: i32, %arg2: memref<10112x128xf32, #tpu.memory_space<hbm>>, %arg3: memref<2880x112xi32, #tpu.memory_space<hbm>>, %arg4: memref<2880x112xi32, #tpu.memory_space<hbm>>, %arg5: memref<10112x128xf32, #tpu.memory_space<hbm>>, %arg6: memref<10112x128xf32, #tpu.memory_space<hbm>>, %arg7: memref<90x112xi32, #tpu.memory_space<vmem>>, %arg8: memref<90x112xi32, #tpu.memory_space<vmem>>, %arg9: memref<112x128xf32, #tpu.memory_space<vmem>>, %arg10: memref<112x128xf32, #tpu.memory_space<vmem>>, %arg11: memref<10112x128xf32, #tpu.memory_space<vmem_shared>>, %arg12: memref<!tpu.dma_semaphore, #tpu.memory_space<semaphore_mem>>, %arg13: memref<!tpu.dma_semaphore, #tpu.memory_space<semaphore_mem>>) attributes {dimension_semantics = [#tpu.dimension_semantics<core_parallel>, #tpu.dimension_semantics<subcore_parallel>], iteration_bounds = array<i64: 2, 16>, scalar_prefetch = 0 : i64, scratch_operands = 7 : i64, tpu.core_type = #tpu.core_type<sc_vector_subcore>, window_params = [{transform_indices = #map}, {transform_indices = #map}, {transform_indices = #map}, {transform_indices = #map}, {transform_indices = #map}]} {
    %eq3A = arith.constant 0 : i32
    %eq3A_0 = arith.cmpi eq, %arg0, %eq3A : i32
    %jit3A = arith.constant 90 : i32
    %jit3A_1 = arith.constant 90 : i32
    %select_n3A = arith.select %eq3A_0, %jit3A, %jit3A_1 : i32
    %eq3A_2 = arith.constant 0 : i32
    %eq3A_3 = arith.cmpi eq, %arg0, %eq3A_2 : i32
    %mul3A = arith.constant 90 : i32
    %mul3A_4 = arith.muli %arg1, %mul3A : i32
    %mul3A_5 = arith.constant 90 : i32
    %mul3A_6 = arith.muli %arg1, %mul3A_5 : i32
    %add3A = arith.constant 1440 : i32
    %add3A_7 = arith.addi %add3A, %mul3A_6 : i32
    %select_n3A_8 = arith.select %eq3A_3, %mul3A_4, %add3A_7 : i32
    "tpu.region"() ({
      %run_scoped3A = tpu.sem_alloc : memref<!tpu.dma_semaphore, #tpu.memory_space<semaphore_mem>>
      %dma_start3A_75 = arith.constant 0 : i32
      %dma_start3A_76 = tpu.memref_slice %arg3[%select_n3A_8, %dma_start3A_75] : memref<2880x112xi32, #tpu.memory_space<hbm>> -> memref<90x112xi32, #tpu.memory_space<hbm>>
      %dma_start3A_77 = arith.constant 0 : i32
      %dma_start3A_78 = tpu.memref_slice %arg3[%select_n3A_8, %dma_start3A_77] : memref<2880x112xi32, #tpu.memory_space<hbm>> -> memref<90x112xi32, #tpu.memory_space<hbm>>
      tpu.enqueue_dma source(%dma_start3A_78 : memref<90x112xi32, #tpu.memory_space<hbm>>) target(%arg7 : memref<90x112xi32, #tpu.memory_space<vmem>>) target_semaphore(%run_scoped3A : memref<!tpu.dma_semaphore, #tpu.memory_space<semaphore_mem>>)
      %dma_wait3A_79 = arith.constant 0 : i32
      %dma_wait3A_80 = tpu.memref_slice %arg3[%select_n3A_8, %dma_wait3A_79] : memref<2880x112xi32, #tpu.memory_space<hbm>> -> memref<90x112xi32, #tpu.memory_space<hbm>>
      %dma_wait3A_81 = arith.constant 0 : i32
      %dma_wait3A_82 = tpu.memref_slice %arg3[%select_n3A_8, %dma_wait3A_81] : memref<2880x112xi32, #tpu.memory_space<hbm>> -> memref<90x112xi32, #tpu.memory_space<hbm>>
      tpu.wait_dma2 semaphore(%run_scoped3A : memref<!tpu.dma_semaphore, #tpu.memory_space<semaphore_mem>>) src(%dma_wait3A_82 : memref<90x112xi32, #tpu.memory_space<hbm>>) dst(%arg7 : memref<90x112xi32, #tpu.memory_space<vmem>>)
      tpu.yield
    }) : () -> ()
    "tpu.region"() ({
      %run_scoped3A = tpu.sem_alloc : memref<!tpu.dma_semaphore, #tpu.memory_space<semaphore_mem>>
      %dma_start3A_75 = arith.constant 0 : i32
      %dma_start3A_76 = tpu.memref_slice %arg4[%select_n3A_8, %dma_start3A_75] : memref<2880x112xi32, #tpu.memory_space<hbm>> -> memref<90x112xi32, #tpu.memory_space<hbm>>
      %dma_start3A_77 = arith.constant 0 : i32
      %dma_start3A_78 = tpu.memref_slice %arg4[%select_n3A_8, %dma_start3A_77] : memref<2880x112xi32, #tpu.memory_space<hbm>> -> memref<90x112xi32, #tpu.memory_space<hbm>>
      tpu.enqueue_dma source(%dma_start3A_78 : memref<90x112xi32, #tpu.memory_space<hbm>>) target(%arg8 : memref<90x112xi32, #tpu.memory_space<vmem>>) target_semaphore(%run_scoped3A : memref<!tpu.dma_semaphore, #tpu.memory_space<semaphore_mem>>)
      %dma_wait3A_79 = arith.constant 0 : i32
      %dma_wait3A_80 = tpu.memref_slice %arg4[%select_n3A_8, %dma_wait3A_79] : memref<2880x112xi32, #tpu.memory_space<hbm>> -> memref<90x112xi32, #tpu.memory_space<hbm>>
      %dma_wait3A_81 = arith.constant 0 : i32
      %dma_wait3A_82 = tpu.memref_slice %arg4[%select_n3A_8, %dma_wait3A_81] : memref<2880x112xi32, #tpu.memory_space<hbm>> -> memref<90x112xi32, #tpu.memory_space<hbm>>
      tpu.wait_dma2 semaphore(%run_scoped3A : memref<!tpu.dma_semaphore, #tpu.memory_space<semaphore_mem>>) src(%dma_wait3A_82 : memref<90x112xi32, #tpu.memory_space<hbm>>) dst(%arg8 : memref<90x112xi32, #tpu.memory_space<vmem>>)
      tpu.yield
    }) : () -> ()
    %mul3A_9 = arith.constant 632 : i32
    %mul3A_10 = arith.muli %arg1, %mul3A_9 : i32
    %mul3A_11 = arith.constant 632 : i32
    %mul3A_12 = arith.muli %arg1, %mul3A_11 : i32
    "tpu.region"() ({
      %run_scoped3A = tpu.sem_alloc : memref<!tpu.dma_semaphore, #tpu.memory_space<semaphore_mem>>
      %dma_start3A_75 = arith.constant 0 : i32
      %dma_start3A_76 = tpu.memref_slice %arg11[%mul3A_12, %dma_start3A_75] : memref<10112x128xf32, #tpu.memory_space<vmem_shared>> -> memref<632x128xf32, #tpu.memory_space<vmem_shared>>
      %dma_start3A_77 = arith.constant 0 : i32
      %dma_start3A_78 = tpu.memref_slice %arg2[%mul3A_10, %dma_start3A_77] : memref<10112x128xf32, #tpu.memory_space<hbm>> -> memref<632x128xf32, #tpu.memory_space<hbm>>
      tpu.enqueue_dma source(%dma_start3A_78 : memref<632x128xf32, #tpu.memory_space<hbm>>) target(%dma_start3A_76 : memref<632x128xf32, #tpu.memory_space<vmem_shared>>) target_semaphore(%run_scoped3A : memref<!tpu.dma_semaphore, #tpu.memory_space<semaphore_mem>>)
      %dma_wait3A_79 = arith.constant 0 : i32
      %dma_wait3A_80 = tpu.memref_slice %arg11[%mul3A_12, %dma_wait3A_79] : memref<10112x128xf32, #tpu.memory_space<vmem_shared>> -> memref<632x128xf32, #tpu.memory_space<vmem_shared>>
      %dma_wait3A_81 = arith.constant 0 : i32
      %dma_wait3A_82 = tpu.memref_slice %arg2[%mul3A_10, %dma_wait3A_81] : memref<10112x128xf32, #tpu.memory_space<hbm>> -> memref<632x128xf32, #tpu.memory_space<hbm>>
      tpu.wait_dma2 semaphore(%run_scoped3A : memref<!tpu.dma_semaphore, #tpu.memory_space<semaphore_mem>>) src(%dma_wait3A_82 : memref<632x128xf32, #tpu.memory_space<hbm>>) dst(%dma_wait3A_80 : memref<632x128xf32, #tpu.memory_space<vmem_shared>>)
      tpu.yield
    }) : () -> ()
    %barrier3A = arith.constant 0 : index
    tpu.barrier barrier_id(%barrier3A)
    %dma_start3A = arith.constant 0 : i32
    %dma_start3A_13 = arith.constant 0 : i32
    %dma_start3A_14 = tpu.memref_slice %arg7[%dma_start3A, %dma_start3A_13] : memref<90x112xi32, #tpu.memory_space<vmem>> -> memref<1x112xi32, #tpu.memory_space<vmem>>
    %dma_start3A_15 = tpu.memref_squeeze %dma_start3A_14 : memref<1x112xi32, #tpu.memory_space<vmem>> -> memref<112xi32, #tpu.memory_space<vmem>>
    %dma_start3A_16 = arith.constant 0 : i32
    %dma_start3A_17 = arith.constant 0 : i32
    %dma_start3A_18 = tpu.memref_slice %arg2[%dma_start3A_16, %dma_start3A_17] : memref<10112x128xf32, #tpu.memory_space<hbm>> -> memref<10112x128xf32, #tpu.memory_space<hbm>>
    tpu.enqueue_indirect_dma source(%dma_start3A_18 : memref<10112x128xf32, #tpu.memory_space<hbm>>) target(%arg9 : memref<112x128xf32, #tpu.memory_space<vmem>>) offsets(%dma_start3A_15 : memref<112xi32, #tpu.memory_space<vmem>>) semaphore(%arg12 : memref<!tpu.dma_semaphore, #tpu.memory_space<semaphore_mem>>)
    %dma_start3A_19 = arith.constant 1 : i32
    %dma_start3A_20 = arith.constant 0 : i32
    %dma_start3A_21 = tpu.memref_slice %arg7[%dma_start3A_19, %dma_start3A_20] : memref<90x112xi32, #tpu.memory_space<vmem>> -> memref<1x112xi32, #tpu.memory_space<vmem>>
    %dma_start3A_22 = tpu.memref_squeeze %dma_start3A_21 : memref<1x112xi32, #tpu.memory_space<vmem>> -> memref<112xi32, #tpu.memory_space<vmem>>
    %dma_start3A_23 = arith.constant 0 : i32
    %dma_start3A_24 = arith.constant 0 : i32
    %dma_start3A_25 = tpu.memref_slice %arg2[%dma_start3A_23, %dma_start3A_24] : memref<10112x128xf32, #tpu.memory_space<hbm>> -> memref<10112x128xf32, #tpu.memory_space<hbm>>
    tpu.enqueue_indirect_dma source(%dma_start3A_25 : memref<10112x128xf32, #tpu.memory_space<hbm>>) target(%arg10 : memref<112x128xf32, #tpu.memory_space<vmem>>) offsets(%dma_start3A_22 : memref<112xi32, #tpu.memory_space<vmem>>) semaphore(%arg13 : memref<!tpu.dma_semaphore, #tpu.memory_space<semaphore_mem>>)
    %jit3A_26 = arith.constant 2 : i32
    %div3A = arith.divsi %select_n3A, %jit3A_26 : i32
    %sign3A = arith.constant 0 : i32
    %sign3A_27 = arith.cmpi sgt, %select_n3A, %sign3A : i32
    %sign3A_28 = arith.extui %sign3A_27 : i1 to i32
    %sign3A_29 = arith.constant 0 : i32
    %sign3A_30 = arith.cmpi slt, %select_n3A, %sign3A_29 : i32
    %sign3A_31 = arith.extui %sign3A_30 : i1 to i32
    %sign3A_32 = arith.subi %sign3A_28, %sign3A_31 : i32
    %sign3A_33 = arith.constant 0 : i32
    %sign3A_34 = arith.cmpi sgt, %jit3A_26, %sign3A_33 : i32
    %sign3A_35 = arith.extui %sign3A_34 : i1 to i32
    %sign3A_36 = arith.constant 0 : i32
    %sign3A_37 = arith.cmpi slt, %jit3A_26, %sign3A_36 : i32
    %sign3A_38 = arith.extui %sign3A_37 : i1 to i32
    %sign3A_39 = arith.subi %sign3A_35, %sign3A_38 : i32
    %ne3A = arith.cmpi ne, %sign3A_32, %sign3A_39 : i32
    %rem3A = arith.remsi %select_n3A, %jit3A_26 : i32
    %ne3A_40 = arith.constant 0 : i32
    %ne3A_41 = arith.cmpi ne, %rem3A, %ne3A_40 : i32
    %and3A = arith.andi %ne3A, %ne3A_41 : i1
    %sub3A = arith.constant 1 : i32
    %sub3A_42 = arith.subi %div3A, %sub3A : i32
    %select_n3A_43 = arith.select %and3A, %sub3A_42, %div3A : i32
    %while3A = arith.constant 0 : i32
    %while3A_44 = arith.constant 0 : i32
    %while3A_45 = arith.subi %select_n3A_43, %while3A_44 : i32
    %while3A_46 = arith.addi %while3A_44, %while3A_45 : i32
    %while3A_47 = arith.constant 1 : i32
    %while3A_48 = arith.divsi %while3A_45, %while3A_47 : i32
    %while3A_49 = arith.muli %while3A_48, %while3A_47 : i32
    %while3A_50 = arith.addi %while3A_44, %while3A_49 : i32
    %while3A_51 = arith.constant 1 : i32
    scf.for %while3A_75 = %while3A_44 to %while3A_50 step %while3A_51  : i32 {
      %mul3A_76 = arith.constant 2 : i32
      %mul3A_77 = arith.muli %while3A_75, %mul3A_76 : i32
      %add3A_78 = arith.constant 0 : i32
      %add3A_79 = arith.addi %mul3A_77, %add3A_78 : i32
      %dma_wait3A_80 = arith.constant 0 : i32
      %dma_wait3A_81 = tpu.memref_slice %arg7[%add3A_79, %dma_wait3A_80] : memref<90x112xi32, #tpu.memory_space<vmem>> -> memref<1x112xi32, #tpu.memory_space<vmem>>
      %dma_wait3A_82 = tpu.memref_squeeze %dma_wait3A_81 : memref<1x112xi32, #tpu.memory_space<vmem>> -> memref<112xi32, #tpu.memory_space<vmem>>
      %dma_wait3A_83 = arith.constant 0 : i32
      %dma_wait3A_84 = arith.constant 0 : i32
      %dma_wait3A_85 = tpu.memref_slice %arg2[%dma_wait3A_83, %dma_wait3A_84] : memref<10112x128xf32, #tpu.memory_space<hbm>> -> memref<10112x128xf32, #tpu.memory_space<hbm>>
      tpu.wait_indirect_dma semaphore(%arg12 : memref<!tpu.dma_semaphore, #tpu.memory_space<semaphore_mem>>) src(%dma_wait3A_85 : memref<10112x128xf32, #tpu.memory_space<hbm>>) dst(%arg9 : memref<112x128xf32, #tpu.memory_space<vmem>>)
      %add3A_86 = arith.constant 0 : i32
      %add3A_87 = arith.addi %mul3A_77, %add3A_86 : i32
      "tpu.region"() ({
        %run_scoped3A = tpu.sem_alloc : memref<!tpu.dma_semaphore, #tpu.memory_space<semaphore_mem>>
        %dma_start3A_120 = arith.constant 0 : i32
        %dma_start3A_121 = tpu.memref_slice %arg8[%add3A_87, %dma_start3A_120] : memref<90x112xi32, #tpu.memory_space<vmem>> -> memref<1x112xi32, #tpu.memory_space<vmem>>
        %dma_start3A_122 = tpu.memref_squeeze %dma_start3A_121 : memref<1x112xi32, #tpu.memory_space<vmem>> -> memref<112xi32, #tpu.memory_space<vmem>>
        %dma_start3A_123 = arith.constant 0 : i32
        %dma_start3A_124 = arith.constant 0 : i32
        %dma_start3A_125 = tpu.memref_slice %arg11[%dma_start3A_123, %dma_start3A_124] : memref<10112x128xf32, #tpu.memory_space<vmem_shared>> -> memref<10112x128xf32, #tpu.memory_space<vmem_shared>>
        tpu.enqueue_indirect_dma source(%arg9 : memref<112x128xf32, #tpu.memory_space<vmem>>) target(%dma_start3A_125 : memref<10112x128xf32, #tpu.memory_space<vmem_shared>>) offsets(%dma_start3A_122 : memref<112xi32, #tpu.memory_space<vmem>>) semaphore(%run_scoped3A : memref<!tpu.dma_semaphore, #tpu.memory_space<semaphore_mem>>) {add = true}
        %dma_wait3A_126 = arith.constant 0 : i32
        %dma_wait3A_127 = tpu.memref_slice %arg8[%add3A_87, %dma_wait3A_126] : memref<90x112xi32, #tpu.memory_space<vmem>> -> memref<1x112xi32, #tpu.memory_space<vmem>>
        %dma_wait3A_128 = tpu.memref_squeeze %dma_wait3A_127 : memref<1x112xi32, #tpu.memory_space<vmem>> -> memref<112xi32, #tpu.memory_space<vmem>>
        %dma_wait3A_129 = arith.constant 0 : i32
        %dma_wait3A_130 = arith.constant 0 : i32
        %dma_wait3A_131 = tpu.memref_slice %arg11[%dma_wait3A_129, %dma_wait3A_130] : memref<10112x128xf32, #tpu.memory_space<vmem_shared>> -> memref<10112x128xf32, #tpu.memory_space<vmem_shared>>
        tpu.wait_indirect_dma semaphore(%run_scoped3A : memref<!tpu.dma_semaphore, #tpu.memory_space<semaphore_mem>>) src(%arg9 : memref<112x128xf32, #tpu.memory_space<vmem>>) dst(%dma_wait3A_131 : memref<10112x128xf32, #tpu.memory_space<vmem_shared>>)
        tpu.yield
      }) : () -> ()
      %add3A_88 = arith.constant 2 : i32
      %add3A_89 = arith.addi %mul3A_77, %add3A_88 : i32
      %add3A_90 = arith.constant 0 : i32
      %add3A_91 = arith.addi %add3A_89, %add3A_90 : i32
      %rem3A_92 = arith.remsi %add3A_91, %select_n3A : i32
      %dma_start3A_93 = arith.constant 0 : i32
      %dma_start3A_94 = tpu.memref_slice %arg7[%rem3A_92, %dma_start3A_93] : memref<90x112xi32, #tpu.memory_space<vmem>> -> memref<1x112xi32, #tpu.memory_space<vmem>>
      %dma_start3A_95 = tpu.memref_squeeze %dma_start3A_94 : memref<1x112xi32, #tpu.memory_space<vmem>> -> memref<112xi32, #tpu.memory_space<vmem>>
      %dma_start3A_96 = arith.constant 0 : i32
      %dma_start3A_97 = arith.constant 0 : i32
      %dma_start3A_98 = tpu.memref_slice %arg2[%dma_start3A_96, %dma_start3A_97] : memref<10112x128xf32, #tpu.memory_space<hbm>> -> memref<10112x128xf32, #tpu.memory_space<hbm>>
      tpu.enqueue_indirect_dma source(%dma_start3A_98 : memref<10112x128xf32, #tpu.memory_space<hbm>>) target(%arg9 : memref<112x128xf32, #tpu.memory_space<vmem>>) offsets(%dma_start3A_95 : memref<112xi32, #tpu.memory_space<vmem>>) semaphore(%arg12 : memref<!tpu.dma_semaphore, #tpu.memory_space<semaphore_mem>>)
      %add3A_99 = arith.constant 1 : i32
      %add3A_100 = arith.addi %mul3A_77, %add3A_99 : i32
      %dma_wait3A_101 = arith.constant 0 : i32
      %dma_wait3A_102 = tpu.memref_slice %arg7[%add3A_100, %dma_wait3A_101] : memref<90x112xi32, #tpu.memory_space<vmem>> -> memref<1x112xi32, #tpu.memory_space<vmem>>
      %dma_wait3A_103 = tpu.memref_squeeze %dma_wait3A_102 : memref<1x112xi32, #tpu.memory_space<vmem>> -> memref<112xi32, #tpu.memory_space<vmem>>
      %dma_wait3A_104 = arith.constant 0 : i32
      %dma_wait3A_105 = arith.constant 0 : i32
      %dma_wait3A_106 = tpu.memref_slice %arg2[%dma_wait3A_104, %dma_wait3A_105] : memref<10112x128xf32, #tpu.memory_space<hbm>> -> memref<10112x128xf32, #tpu.memory_space<hbm>>
      tpu.wait_indirect_dma semaphore(%arg13 : memref<!tpu.dma_semaphore, #tpu.memory_space<semaphore_mem>>) src(%dma_wait3A_106 : memref<10112x128xf32, #tpu.memory_space<hbm>>) dst(%arg10 : memref<112x128xf32, #tpu.memory_space<vmem>>)
      %add3A_107 = arith.constant 1 : i32
      %add3A_108 = arith.addi %mul3A_77, %add3A_107 : i32
      "tpu.region"() ({
        %run_scoped3A = tpu.sem_alloc : memref<!tpu.dma_semaphore, #tpu.memory_space<semaphore_mem>>
        %dma_start3A_120 = arith.constant 0 : i32
        %dma_start3A_121 = tpu.memref_slice %arg8[%add3A_108, %dma_start3A_120] : memref<90x112xi32, #tpu.memory_space<vmem>> -> memref<1x112xi32, #tpu.memory_space<vmem>>
        %dma_start3A_122 = tpu.memref_squeeze %dma_start3A_121 : memref<1x112xi32, #tpu.memory_space<vmem>> -> memref<112xi32, #tpu.memory_space<vmem>>
        %dma_start3A_123 = arith.constant 0 : i32
        %dma_start3A_124 = arith.constant 0 : i32
        %dma_start3A_125 = tpu.memref_slice %arg11[%dma_start3A_123, %dma_start3A_124] : memref<10112x128xf32, #tpu.memory_space<vmem_shared>> -> memref<10112x128xf32, #tpu.memory_space<vmem_shared>>
        tpu.enqueue_indirect_dma source(%arg10 : memref<112x128xf32, #tpu.memory_space<vmem>>) target(%dma_start3A_125 : memref<10112x128xf32, #tpu.memory_space<vmem_shared>>) offsets(%dma_start3A_122 : memref<112xi32, #tpu.memory_space<vmem>>) semaphore(%run_scoped3A : memref<!tpu.dma_semaphore, #tpu.memory_space<semaphore_mem>>) {add = true}
        %dma_wait3A_126 = arith.constant 0 : i32
        %dma_wait3A_127 = tpu.memref_slice %arg8[%add3A_108, %dma_wait3A_126] : memref<90x112xi32, #tpu.memory_space<vmem>> -> memref<1x112xi32, #tpu.memory_space<vmem>>
        %dma_wait3A_128 = tpu.memref_squeeze %dma_wait3A_127 : memref<1x112xi32, #tpu.memory_space<vmem>> -> memref<112xi32, #tpu.memory_space<vmem>>
        %dma_wait3A_129 = arith.constant 0 : i32
        %dma_wait3A_130 = arith.constant 0 : i32
        %dma_wait3A_131 = tpu.memref_slice %arg11[%dma_wait3A_129, %dma_wait3A_130] : memref<10112x128xf32, #tpu.memory_space<vmem_shared>> -> memref<10112x128xf32, #tpu.memory_space<vmem_shared>>
        tpu.wait_indirect_dma semaphore(%run_scoped3A : memref<!tpu.dma_semaphore, #tpu.memory_space<semaphore_mem>>) src(%arg10 : memref<112x128xf32, #tpu.memory_space<vmem>>) dst(%dma_wait3A_131 : memref<10112x128xf32, #tpu.memory_space<vmem_shared>>)
        tpu.yield
      }) : () -> ()
      %add3A_109 = arith.constant 2 : i32
      %add3A_110 = arith.addi %mul3A_77, %add3A_109 : i32
      %add3A_111 = arith.constant 1 : i32
      %add3A_112 = arith.addi %add3A_110, %add3A_111 : i32
      %rem3A_113 = arith.remsi %add3A_112, %select_n3A : i32
      %dma_start3A_114 = arith.constant 0 : i32
      %dma_start3A_115 = tpu.memref_slice %arg7[%rem3A_113, %dma_start3A_114] : memref<90x112xi32, #tpu.memory_space<vmem>> -> memref<1x112xi32, #tpu.memory_space<vmem>>
      %dma_start3A_116 = tpu.memref_squeeze %dma_start3A_115 : memref<1x112xi32, #tpu.memory_space<vmem>> -> memref<112xi32, #tpu.memory_space<vmem>>
      %dma_start3A_117 = arith.constant 0 : i32
      %dma_start3A_118 = arith.constant 0 : i32
      %dma_start3A_119 = tpu.memref_slice %arg2[%dma_start3A_117, %dma_start3A_118] : memref<10112x128xf32, #tpu.memory_space<hbm>> -> memref<10112x128xf32, #tpu.memory_space<hbm>>
      tpu.enqueue_indirect_dma source(%dma_start3A_119 : memref<10112x128xf32, #tpu.memory_space<hbm>>) target(%arg10 : memref<112x128xf32, #tpu.memory_space<vmem>>) offsets(%dma_start3A_116 : memref<112xi32, #tpu.memory_space<vmem>>) semaphore(%arg13 : memref<!tpu.dma_semaphore, #tpu.memory_space<semaphore_mem>>)
    }
    %while3A_52 = arith.constant 1 : i32
    scf.for %while3A_75 = %while3A_50 to %while3A_46 step %while3A_52  : i32 {
      %mul3A_76 = arith.constant 2 : i32
      %mul3A_77 = arith.muli %while3A_75, %mul3A_76 : i32
      %add3A_78 = arith.constant 0 : i32
      %add3A_79 = arith.addi %mul3A_77, %add3A_78 : i32
      %dma_wait3A_80 = arith.constant 0 : i32
      %dma_wait3A_81 = tpu.memref_slice %arg7[%add3A_79, %dma_wait3A_80] : memref<90x112xi32, #tpu.memory_space<vmem>> -> memref<1x112xi32, #tpu.memory_space<vmem>>
      %dma_wait3A_82 = tpu.memref_squeeze %dma_wait3A_81 : memref<1x112xi32, #tpu.memory_space<vmem>> -> memref<112xi32, #tpu.memory_space<vmem>>
      %dma_wait3A_83 = arith.constant 0 : i32
      %dma_wait3A_84 = arith.constant 0 : i32
      %dma_wait3A_85 = tpu.memref_slice %arg2[%dma_wait3A_83, %dma_wait3A_84] : memref<10112x128xf32, #tpu.memory_space<hbm>> -> memref<10112x128xf32, #tpu.memory_space<hbm>>
      tpu.wait_indirect_dma semaphore(%arg12 : memref<!tpu.dma_semaphore, #tpu.memory_space<semaphore_mem>>) src(%dma_wait3A_85 : memref<10112x128xf32, #tpu.memory_space<hbm>>) dst(%arg9 : memref<112x128xf32, #tpu.memory_space<vmem>>)
      %add3A_86 = arith.constant 0 : i32
      %add3A_87 = arith.addi %mul3A_77, %add3A_86 : i32
      "tpu.region"() ({
        %run_scoped3A = tpu.sem_alloc : memref<!tpu.dma_semaphore, #tpu.memory_space<semaphore_mem>>
        %dma_start3A_120 = arith.constant 0 : i32
        %dma_start3A_121 = tpu.memref_slice %arg8[%add3A_87, %dma_start3A_120] : memref<90x112xi32, #tpu.memory_space<vmem>> -> memref<1x112xi32, #tpu.memory_space<vmem>>
        %dma_start3A_122 = tpu.memref_squeeze %dma_start3A_121 : memref<1x112xi32, #tpu.memory_space<vmem>> -> memref<112xi32, #tpu.memory_space<vmem>>
        %dma_start3A_123 = arith.constant 0 : i32
        %dma_start3A_124 = arith.constant 0 : i32
        %dma_start3A_125 = tpu.memref_slice %arg11[%dma_start3A_123, %dma_start3A_124] : memref<10112x128xf32, #tpu.memory_space<vmem_shared>> -> memref<10112x128xf32, #tpu.memory_space<vmem_shared>>
        tpu.enqueue_indirect_dma source(%arg9 : memref<112x128xf32, #tpu.memory_space<vmem>>) target(%dma_start3A_125 : memref<10112x128xf32, #tpu.memory_space<vmem_shared>>) offsets(%dma_start3A_122 : memref<112xi32, #tpu.memory_space<vmem>>) semaphore(%run_scoped3A : memref<!tpu.dma_semaphore, #tpu.memory_space<semaphore_mem>>) {add = true}
        %dma_wait3A_126 = arith.constant 0 : i32
        %dma_wait3A_127 = tpu.memref_slice %arg8[%add3A_87, %dma_wait3A_126] : memref<90x112xi32, #tpu.memory_space<vmem>> -> memref<1x112xi32, #tpu.memory_space<vmem>>
        %dma_wait3A_128 = tpu.memref_squeeze %dma_wait3A_127 : memref<1x112xi32, #tpu.memory_space<vmem>> -> memref<112xi32, #tpu.memory_space<vmem>>
        %dma_wait3A_129 = arith.constant 0 : i32
        %dma_wait3A_130 = arith.constant 0 : i32
        %dma_wait3A_131 = tpu.memref_slice %arg11[%dma_wait3A_129, %dma_wait3A_130] : memref<10112x128xf32, #tpu.memory_space<vmem_shared>> -> memref<10112x128xf32, #tpu.memory_space<vmem_shared>>
        tpu.wait_indirect_dma semaphore(%run_scoped3A : memref<!tpu.dma_semaphore, #tpu.memory_space<semaphore_mem>>) src(%arg9 : memref<112x128xf32, #tpu.memory_space<vmem>>) dst(%dma_wait3A_131 : memref<10112x128xf32, #tpu.memory_space<vmem_shared>>)
        tpu.yield
      }) : () -> ()
      %add3A_88 = arith.constant 2 : i32
      %add3A_89 = arith.addi %mul3A_77, %add3A_88 : i32
      %add3A_90 = arith.constant 0 : i32
      %add3A_91 = arith.addi %add3A_89, %add3A_90 : i32
      %rem3A_92 = arith.remsi %add3A_91, %select_n3A : i32
      %dma_start3A_93 = arith.constant 0 : i32
      %dma_start3A_94 = tpu.memref_slice %arg7[%rem3A_92, %dma_start3A_93] : memref<90x112xi32, #tpu.memory_space<vmem>> -> memref<1x112xi32, #tpu.memory_space<vmem>>
      %dma_start3A_95 = tpu.memref_squeeze %dma_start3A_94 : memref<1x112xi32, #tpu.memory_space<vmem>> -> memref<112xi32, #tpu.memory_space<vmem>>
      %dma_start3A_96 = arith.constant 0 : i32
      %dma_start3A_97 = arith.constant 0 : i32
      %dma_start3A_98 = tpu.memref_slice %arg2[%dma_start3A_96, %dma_start3A_97] : memref<10112x128xf32, #tpu.memory_space<hbm>> -> memref<10112x128xf32, #tpu.memory_space<hbm>>
      tpu.enqueue_indirect_dma source(%dma_start3A_98 : memref<10112x128xf32, #tpu.memory_space<hbm>>) target(%arg9 : memref<112x128xf32, #tpu.memory_space<vmem>>) offsets(%dma_start3A_95 : memref<112xi32, #tpu.memory_space<vmem>>) semaphore(%arg12 : memref<!tpu.dma_semaphore, #tpu.memory_space<semaphore_mem>>)
      %add3A_99 = arith.constant 1 : i32
      %add3A_100 = arith.addi %mul3A_77, %add3A_99 : i32
      %dma_wait3A_101 = arith.constant 0 : i32
      %dma_wait3A_102 = tpu.memref_slice %arg7[%add3A_100, %dma_wait3A_101] : memref<90x112xi32, #tpu.memory_space<vmem>> -> memref<1x112xi32, #tpu.memory_space<vmem>>
      %dma_wait3A_103 = tpu.memref_squeeze %dma_wait3A_102 : memref<1x112xi32, #tpu.memory_space<vmem>> -> memref<112xi32, #tpu.memory_space<vmem>>
      %dma_wait3A_104 = arith.constant 0 : i32
      %dma_wait3A_105 = arith.constant 0 : i32
      %dma_wait3A_106 = tpu.memref_slice %arg2[%dma_wait3A_104, %dma_wait3A_105] : memref<10112x128xf32, #tpu.memory_space<hbm>> -> memref<10112x128xf32, #tpu.memory_space<hbm>>
      tpu.wait_indirect_dma semaphore(%arg13 : memref<!tpu.dma_semaphore, #tpu.memory_space<semaphore_mem>>) src(%dma_wait3A_106 : memref<10112x128xf32, #tpu.memory_space<hbm>>) dst(%arg10 : memref<112x128xf32, #tpu.memory_space<vmem>>)
      %add3A_107 = arith.constant 1 : i32
      %add3A_108 = arith.addi %mul3A_77, %add3A_107 : i32
      "tpu.region"() ({
        %run_scoped3A = tpu.sem_alloc : memref<!tpu.dma_semaphore, #tpu.memory_space<semaphore_mem>>
        %dma_start3A_120 = arith.constant 0 : i32
        %dma_start3A_121 = tpu.memref_slice %arg8[%add3A_108, %dma_start3A_120] : memref<90x112xi32, #tpu.memory_space<vmem>> -> memref<1x112xi32, #tpu.memory_space<vmem>>
        %dma_start3A_122 = tpu.memref_squeeze %dma_start3A_121 : memref<1x112xi32, #tpu.memory_space<vmem>> -> memref<112xi32, #tpu.memory_space<vmem>>
        %dma_start3A_123 = arith.constant 0 : i32
        %dma_start3A_124 = arith.constant 0 : i32
        %dma_start3A_125 = tpu.memref_slice %arg11[%dma_start3A_123, %dma_start3A_124] : memref<10112x128xf32, #tpu.memory_space<vmem_shared>> -> memref<10112x128xf32, #tpu.memory_space<vmem_shared>>
        tpu.enqueue_indirect_dma source(%arg10 : memref<112x128xf32, #tpu.memory_space<vmem>>) target(%dma_start3A_125 : memref<10112x128xf32, #tpu.memory_space<vmem_shared>>) offsets(%dma_start3A_122 : memref<112xi32, #tpu.memory_space<vmem>>) semaphore(%run_scoped3A : memref<!tpu.dma_semaphore, #tpu.memory_space<semaphore_mem>>) {add = true}
        %dma_wait3A_126 = arith.constant 0 : i32
        %dma_wait3A_127 = tpu.memref_slice %arg8[%add3A_108, %dma_wait3A_126] : memref<90x112xi32, #tpu.memory_space<vmem>> -> memref<1x112xi32, #tpu.memory_space<vmem>>
        %dma_wait3A_128 = tpu.memref_squeeze %dma_wait3A_127 : memref<1x112xi32, #tpu.memory_space<vmem>> -> memref<112xi32, #tpu.memory_space<vmem>>
        %dma_wait3A_129 = arith.constant 0 : i32
        %dma_wait3A_130 = arith.constant 0 : i32
        %dma_wait3A_131 = tpu.memref_slice %arg11[%dma_wait3A_129, %dma_wait3A_130] : memref<10112x128xf32, #tpu.memory_space<vmem_shared>> -> memref<10112x128xf32, #tpu.memory_space<vmem_shared>>
        tpu.wait_indirect_dma semaphore(%run_scoped3A : memref<!tpu.dma_semaphore, #tpu.memory_space<semaphore_mem>>) src(%arg10 : memref<112x128xf32, #tpu.memory_space<vmem>>) dst(%dma_wait3A_131 : memref<10112x128xf32, #tpu.memory_space<vmem_shared>>)
        tpu.yield
      }) : () -> ()
      %add3A_109 = arith.constant 2 : i32
      %add3A_110 = arith.addi %mul3A_77, %add3A_109 : i32
      %add3A_111 = arith.constant 1 : i32
      %add3A_112 = arith.addi %add3A_110, %add3A_111 : i32
      %rem3A_113 = arith.remsi %add3A_112, %select_n3A : i32
      %dma_start3A_114 = arith.constant 0 : i32
      %dma_start3A_115 = tpu.memref_slice %arg7[%rem3A_113, %dma_start3A_114] : memref<90x112xi32, #tpu.memory_space<vmem>> -> memref<1x112xi32, #tpu.memory_space<vmem>>
      %dma_start3A_116 = tpu.memref_squeeze %dma_start3A_115 : memref<1x112xi32, #tpu.memory_space<vmem>> -> memref<112xi32, #tpu.memory_space<vmem>>
      %dma_start3A_117 = arith.constant 0 : i32
      %dma_start3A_118 = arith.constant 0 : i32
      %dma_start3A_119 = tpu.memref_slice %arg2[%dma_start3A_117, %dma_start3A_118] : memref<10112x128xf32, #tpu.memory_space<hbm>> -> memref<10112x128xf32, #tpu.memory_space<hbm>>
      tpu.enqueue_indirect_dma source(%dma_start3A_119 : memref<10112x128xf32, #tpu.memory_space<hbm>>) target(%arg10 : memref<112x128xf32, #tpu.memory_space<vmem>>) offsets(%dma_start3A_116 : memref<112xi32, #tpu.memory_space<vmem>>) semaphore(%arg13 : memref<!tpu.dma_semaphore, #tpu.memory_space<semaphore_mem>>)
    }
    %dma_wait3A = arith.constant 0 : i32
    %dma_wait3A_53 = arith.constant 0 : i32
    %dma_wait3A_54 = tpu.memref_slice %arg7[%dma_wait3A, %dma_wait3A_53] : memref<90x112xi32, #tpu.memory_space<vmem>> -> memref<1x112xi32, #tpu.memory_space<vmem>>
    %dma_wait3A_55 = tpu.memref_squeeze %dma_wait3A_54 : memref<1x112xi32, #tpu.memory_space<vmem>> -> memref<112xi32, #tpu.memory_space<vmem>>
    %dma_wait3A_56 = arith.constant 0 : i32
    %dma_wait3A_57 = arith.constant 0 : i32
    %dma_wait3A_58 = tpu.memref_slice %arg2[%dma_wait3A_56, %dma_wait3A_57] : memref<10112x128xf32, #tpu.memory_space<hbm>> -> memref<10112x128xf32, #tpu.memory_space<hbm>>
    tpu.wait_indirect_dma semaphore(%arg12 : memref<!tpu.dma_semaphore, #tpu.memory_space<semaphore_mem>>) src(%dma_wait3A_58 : memref<10112x128xf32, #tpu.memory_space<hbm>>) dst(%arg9 : memref<112x128xf32, #tpu.memory_space<vmem>>)
    %dma_wait3A_59 = arith.constant 1 : i32
    %dma_wait3A_60 = arith.constant 0 : i32
    %dma_wait3A_61 = tpu.memref_slice %arg7[%dma_wait3A_59, %dma_wait3A_60] : memref<90x112xi32, #tpu.memory_space<vmem>> -> memref<1x112xi32, #tpu.memory_space<vmem>>
    %dma_wait3A_62 = tpu.memref_squeeze %dma_wait3A_61 : memref<1x112xi32, #tpu.memory_space<vmem>> -> memref<112xi32, #tpu.memory_space<vmem>>
    %dma_wait3A_63 = arith.constant 0 : i32
    %dma_wait3A_64 = arith.constant 0 : i32
    %dma_wait3A_65 = tpu.memref_slice %arg2[%dma_wait3A_63, %dma_wait3A_64] : memref<10112x128xf32, #tpu.memory_space<hbm>> -> memref<10112x128xf32, #tpu.memory_space<hbm>>
    tpu.wait_indirect_dma semaphore(%arg13 : memref<!tpu.dma_semaphore, #tpu.memory_space<semaphore_mem>>) src(%dma_wait3A_65 : memref<10112x128xf32, #tpu.memory_space<hbm>>) dst(%arg10 : memref<112x128xf32, #tpu.memory_space<vmem>>)
    %barrier3A_66 = arith.constant 0 : index
    tpu.barrier barrier_id(%barrier3A_66)
    %eq3A_67 = arith.constant 0 : i32
    %eq3A_68 = arith.cmpi eq, %arg0, %eq3A_67 : i32
    %convert_element_type3A = arith.extui %eq3A_68 : i1 to i32
    %cond3A = arith.constant 0 : i32
    %cond3A_69 = arith.cmpi ne, %convert_element_type3A, %cond3A : i32
    scf.if %cond3A_69 {
      %mul3A_75 = arith.constant 632 : i32
      %mul3A_76 = arith.muli %arg1, %mul3A_75 : i32
      %mul3A_77 = arith.constant 632 : i32
      %mul3A_78 = arith.muli %arg1, %mul3A_77 : i32
      "tpu.region"() ({
        %run_scoped3A = tpu.sem_alloc : memref<!tpu.dma_semaphore, #tpu.memory_space<semaphore_mem>>
        %dma_start3A_79 = arith.constant 0 : i32
        %dma_start3A_80 = tpu.memref_slice %arg5[%mul3A_78, %dma_start3A_79] : memref<10112x128xf32, #tpu.memory_space<hbm>> -> memref<632x128xf32, #tpu.memory_space<hbm>>
        %dma_start3A_81 = arith.constant 0 : i32
        %dma_start3A_82 = tpu.memref_slice %arg11[%mul3A_76, %dma_start3A_81] : memref<10112x128xf32, #tpu.memory_space<vmem_shared>> -> memref<632x128xf32, #tpu.memory_space<vmem_shared>>
        tpu.enqueue_dma source(%dma_start3A_82 : memref<632x128xf32, #tpu.memory_space<vmem_shared>>) target(%dma_start3A_80 : memref<632x128xf32, #tpu.memory_space<hbm>>) target_semaphore(%run_scoped3A : memref<!tpu.dma_semaphore, #tpu.memory_space<semaphore_mem>>)
        %dma_wait3A_83 = arith.constant 0 : i32
        %dma_wait3A_84 = tpu.memref_slice %arg5[%mul3A_78, %dma_wait3A_83] : memref<10112x128xf32, #tpu.memory_space<hbm>> -> memref<632x128xf32, #tpu.memory_space<hbm>>
        %dma_wait3A_85 = arith.constant 0 : i32
        %dma_wait3A_86 = tpu.memref_slice %arg11[%mul3A_76, %dma_wait3A_85] : memref<10112x128xf32, #tpu.memory_space<vmem_shared>> -> memref<632x128xf32, #tpu.memory_space<vmem_shared>>
        tpu.wait_dma2 semaphore(%run_scoped3A : memref<!tpu.dma_semaphore, #tpu.memory_space<semaphore_mem>>) src(%dma_wait3A_86 : memref<632x128xf32, #tpu.memory_space<vmem_shared>>) dst(%dma_wait3A_84 : memref<632x128xf32, #tpu.memory_space<hbm>>)
        tpu.yield
      }) : () -> ()
    } else {
    }
    %eq3A_70 = arith.constant 1 : i32
    %eq3A_71 = arith.cmpi eq, %arg0, %eq3A_70 : i32
    %convert_element_type3A_72 = arith.extui %eq3A_71 : i1 to i32
    %cond3A_73 = arith.constant 0 : i32
    %cond3A_74 = arith.cmpi ne, %convert_element_type3A_72, %cond3A_73 : i32
    scf.if %cond3A_74 {
      %mul3A_75 = arith.constant 632 : i32
      %mul3A_76 = arith.muli %arg1, %mul3A_75 : i32
      %mul3A_77 = arith.constant 632 : i32
      %mul3A_78 = arith.muli %arg1, %mul3A_77 : i32
      "tpu.region"() ({
        %run_scoped3A = tpu.sem_alloc : memref<!tpu.dma_semaphore, #tpu.memory_space<semaphore_mem>>
        %dma_start3A_79 = arith.constant 0 : i32
        %dma_start3A_80 = tpu.memref_slice %arg6[%mul3A_78, %dma_start3A_79] : memref<10112x128xf32, #tpu.memory_space<hbm>> -> memref<632x128xf32, #tpu.memory_space<hbm>>
        %dma_start3A_81 = arith.constant 0 : i32
        %dma_start3A_82 = tpu.memref_slice %arg11[%mul3A_76, %dma_start3A_81] : memref<10112x128xf32, #tpu.memory_space<vmem_shared>> -> memref<632x128xf32, #tpu.memory_space<vmem_shared>>
        tpu.enqueue_dma source(%dma_start3A_82 : memref<632x128xf32, #tpu.memory_space<vmem_shared>>) target(%dma_start3A_80 : memref<632x128xf32, #tpu.memory_space<hbm>>) target_semaphore(%run_scoped3A : memref<!tpu.dma_semaphore, #tpu.memory_space<semaphore_mem>>)
        %dma_wait3A_83 = arith.constant 0 : i32
        %dma_wait3A_84 = tpu.memref_slice %arg6[%mul3A_78, %dma_wait3A_83] : memref<10112x128xf32, #tpu.memory_space<hbm>> -> memref<632x128xf32, #tpu.memory_space<hbm>>
        %dma_wait3A_85 = arith.constant 0 : i32
        %dma_wait3A_86 = tpu.memref_slice %arg11[%mul3A_76, %dma_wait3A_85] : memref<10112x128xf32, #tpu.memory_space<vmem_shared>> -> memref<632x128xf32, #tpu.memory_space<vmem_shared>>
        tpu.wait_dma2 semaphore(%run_scoped3A : memref<!tpu.dma_semaphore, #tpu.memory_space<semaphore_mem>>) src(%dma_wait3A_86 : memref<632x128xf32, #tpu.memory_space<vmem_shared>>) dst(%dma_wait3A_84 : memref<632x128xf32, #tpu.memory_space<hbm>>)
        tpu.yield
      }) : () -> ()
    } else {
    }
    return
  }
}

#map = affine_map<(d0, d1) -> (0, 0)>
#map1 = affine_map<(d0, d1) -> (0)>
module attributes {stable_mosaic.version = 14 : i64} {
  func.func @_sc_degree(%arg0: i32, %arg1: i32, %arg2: memref<2880x112xi32, #tpu.memory_space<hbm>>, %arg3: memref<10240xf32, #tpu.memory_space<hbm>>, %arg4: memref<10240xf32, #tpu.memory_space<hbm>>, %arg5: memref<90x112xi32, #tpu.memory_space<vmem>>, %arg6: memref<112xf32, #tpu.memory_space<vmem>>, %arg7: memref<640xf32, #tpu.memory_space<vmem>>, %arg8: memref<10240xf32, #tpu.memory_space<vmem_shared>>) attributes {dimension_semantics = [#tpu.dimension_semantics<core_parallel>, #tpu.dimension_semantics<subcore_parallel>], iteration_bounds = array<i64: 2, 16>, scalar_prefetch = 0 : i64, scratch_operands = 4 : i64, tpu.core_type = #tpu.core_type<sc_vector_subcore>, window_params = [{transform_indices = #map}, {transform_indices = #map1}, {transform_indices = #map1}]} {
    %mul3A = arith.constant 16 : i32
    %mul3A_0 = arith.muli %arg0, %mul3A : i32
    %add3A = arith.addi %mul3A_0, %arg1 : i32
    %mul3A_1 = arith.constant 90 : i32
    %mul3A_2 = arith.muli %add3A, %mul3A_1 : i32
    "tpu.region"() ({
      %run_scoped3A = tpu.sem_alloc : memref<!tpu.dma_semaphore, #tpu.memory_space<semaphore_mem>>
      %dma_start3A = arith.constant 0 : i32
      %dma_start3A_298 = tpu.memref_slice %arg2[%mul3A_2, %dma_start3A] : memref<2880x112xi32, #tpu.memory_space<hbm>> -> memref<90x112xi32, #tpu.memory_space<hbm>>
      %dma_start3A_299 = arith.constant 0 : i32
      %dma_start3A_300 = tpu.memref_slice %arg2[%mul3A_2, %dma_start3A_299] : memref<2880x112xi32, #tpu.memory_space<hbm>> -> memref<90x112xi32, #tpu.memory_space<hbm>>
      tpu.enqueue_dma source(%dma_start3A_300 : memref<90x112xi32, #tpu.memory_space<hbm>>) target(%arg5 : memref<90x112xi32, #tpu.memory_space<vmem>>) target_semaphore(%run_scoped3A : memref<!tpu.dma_semaphore, #tpu.memory_space<semaphore_mem>>)
      %dma_wait3A = arith.constant 0 : i32
      %dma_wait3A_301 = tpu.memref_slice %arg2[%mul3A_2, %dma_wait3A] : memref<2880x112xi32, #tpu.memory_space<hbm>> -> memref<90x112xi32, #tpu.memory_space<hbm>>
      %dma_wait3A_302 = arith.constant 0 : i32
      %dma_wait3A_303 = tpu.memref_slice %arg2[%mul3A_2, %dma_wait3A_302] : memref<2880x112xi32, #tpu.memory_space<hbm>> -> memref<90x112xi32, #tpu.memory_space<hbm>>
      tpu.wait_dma2 semaphore(%run_scoped3A : memref<!tpu.dma_semaphore, #tpu.memory_space<semaphore_mem>>) src(%dma_wait3A_303 : memref<90x112xi32, #tpu.memory_space<hbm>>) dst(%arg5 : memref<90x112xi32, #tpu.memory_space<vmem>>)
      tpu.yield
    }) : () -> ()
    %broadcast_in_dim3A = arith.constant 1.000000e+00 : f32
    %broadcast_in_dim3A_3 = vector.broadcast %broadcast_in_dim3A : f32 to vector<16xf32>
    %swap3A = arith.constant 0 : index
    %swap3A_4 = tpu.vector_load %arg6[%swap3A] {strides = array<i32>} : memref<112xf32, #tpu.memory_space<vmem>>, vector<16xf32>,
    %swap3A_5 = vector.shape_cast %swap3A_4 : vector<16xf32> to vector<16xf32>
    %swap3A_6 = vector.shape_cast %broadcast_in_dim3A_3 : vector<16xf32> to vector<16xf32>
    tpu.vector_store %arg6[%swap3A], %swap3A_6 {strides = array<i32>} : memref<112xf32, #tpu.memory_space<vmem>>, vector<16xf32>,
    %broadcast_in_dim3A_7 = arith.constant 1.000000e+00 : f32
    %broadcast_in_dim3A_8 = vector.broadcast %broadcast_in_dim3A_7 : f32 to vector<16xf32>
    %swap3A_9 = arith.constant 16 : index
    %swap3A_10 = tpu.vector_load %arg6[%swap3A_9] {strides = array<i32>} : memref<112xf32, #tpu.memory_space<vmem>>, vector<16xf32>,
    %swap3A_11 = vector.shape_cast %swap3A_10 : vector<16xf32> to vector<16xf32>
    %swap3A_12 = vector.shape_cast %broadcast_in_dim3A_8 : vector<16xf32> to vector<16xf32>
    tpu.vector_store %arg6[%swap3A_9], %swap3A_12 {strides = array<i32>} : memref<112xf32, #tpu.memory_space<vmem>>, vector<16xf32>,
    %broadcast_in_dim3A_13 = arith.constant 1.000000e+00 : f32
    %broadcast_in_dim3A_14 = vector.broadcast %broadcast_in_dim3A_13 : f32 to vector<16xf32>
    %swap3A_15 = arith.constant 32 : index
    %swap3A_16 = tpu.vector_load %arg6[%swap3A_15] {strides = array<i32>} : memref<112xf32, #tpu.memory_space<vmem>>, vector<16xf32>,
    %swap3A_17 = vector.shape_cast %swap3A_16 : vector<16xf32> to vector<16xf32>
    %swap3A_18 = vector.shape_cast %broadcast_in_dim3A_14 : vector<16xf32> to vector<16xf32>
    tpu.vector_store %arg6[%swap3A_15], %swap3A_18 {strides = array<i32>} : memref<112xf32, #tpu.memory_space<vmem>>, vector<16xf32>,
    %broadcast_in_dim3A_19 = arith.constant 1.000000e+00 : f32
    %broadcast_in_dim3A_20 = vector.broadcast %broadcast_in_dim3A_19 : f32 to vector<16xf32>
    %swap3A_21 = arith.constant 48 : index
    %swap3A_22 = tpu.vector_load %arg6[%swap3A_21] {strides = array<i32>} : memref<112xf32, #tpu.memory_space<vmem>>, vector<16xf32>,
    %swap3A_23 = vector.shape_cast %swap3A_22 : vector<16xf32> to vector<16xf32>
    %swap3A_24 = vector.shape_cast %broadcast_in_dim3A_20 : vector<16xf32> to vector<16xf32>
    tpu.vector_store %arg6[%swap3A_21], %swap3A_24 {strides = array<i32>} : memref<112xf32, #tpu.memory_space<vmem>>, vector<16xf32>,
    %broadcast_in_dim3A_25 = arith.constant 1.000000e+00 : f32
    %broadcast_in_dim3A_26 = vector.broadcast %broadcast_in_dim3A_25 : f32 to vector<16xf32>
    %swap3A_27 = arith.constant 64 : index
    %swap3A_28 = tpu.vector_load %arg6[%swap3A_27] {strides = array<i32>} : memref<112xf32, #tpu.memory_space<vmem>>, vector<16xf32>,
    %swap3A_29 = vector.shape_cast %swap3A_28 : vector<16xf32> to vector<16xf32>
    %swap3A_30 = vector.shape_cast %broadcast_in_dim3A_26 : vector<16xf32> to vector<16xf32>
    tpu.vector_store %arg6[%swap3A_27], %swap3A_30 {strides = array<i32>} : memref<112xf32, #tpu.memory_space<vmem>>, vector<16xf32>,
    %broadcast_in_dim3A_31 = arith.constant 1.000000e+00 : f32
    %broadcast_in_dim3A_32 = vector.broadcast %broadcast_in_dim3A_31 : f32 to vector<16xf32>
    %swap3A_33 = arith.constant 80 : index
    %swap3A_34 = tpu.vector_load %arg6[%swap3A_33] {strides = array<i32>} : memref<112xf32, #tpu.memory_space<vmem>>, vector<16xf32>,
    %swap3A_35 = vector.shape_cast %swap3A_34 : vector<16xf32> to vector<16xf32>
    %swap3A_36 = vector.shape_cast %broadcast_in_dim3A_32 : vector<16xf32> to vector<16xf32>
    tpu.vector_store %arg6[%swap3A_33], %swap3A_36 {strides = array<i32>} : memref<112xf32, #tpu.memory_space<vmem>>, vector<16xf32>,
    %broadcast_in_dim3A_37 = arith.constant 1.000000e+00 : f32
    %broadcast_in_dim3A_38 = vector.broadcast %broadcast_in_dim3A_37 : f32 to vector<16xf32>
    %swap3A_39 = arith.constant 96 : index
    %swap3A_40 = tpu.vector_load %arg6[%swap3A_39] {strides = array<i32>} : memref<112xf32, #tpu.memory_space<vmem>>, vector<16xf32>,
    %swap3A_41 = vector.shape_cast %swap3A_40 : vector<16xf32> to vector<16xf32>
    %swap3A_42 = vector.shape_cast %broadcast_in_dim3A_38 : vector<16xf32> to vector<16xf32>
    tpu.vector_store %arg6[%swap3A_39], %swap3A_42 {strides = array<i32>} : memref<112xf32, #tpu.memory_space<vmem>>, vector<16xf32>,
    %broadcast_in_dim3A_43 = arith.constant 0.000000e+00 : f32
    %broadcast_in_dim3A_44 = vector.broadcast %broadcast_in_dim3A_43 : f32 to vector<16xf32>
    %swap3A_45 = arith.constant 0 : index
    %swap3A_46 = tpu.vector_load %arg7[%swap3A_45] {strides = array<i32>} : memref<640xf32, #tpu.memory_space<vmem>>, vector<16xf32>,
    %swap3A_47 = vector.shape_cast %swap3A_46 : vector<16xf32> to vector<16xf32>
    %swap3A_48 = vector.shape_cast %broadcast_in_dim3A_44 : vector<16xf32> to vector<16xf32>
    tpu.vector_store %arg7[%swap3A_45], %swap3A_48 {strides = array<i32>} : memref<640xf32, #tpu.memory_space<vmem>>, vector<16xf32>,
    %broadcast_in_dim3A_49 = arith.constant 0.000000e+00 : f32
    %broadcast_in_dim3A_50 = vector.broadcast %broadcast_in_dim3A_49 : f32 to vector<16xf32>
    %swap3A_51 = arith.constant 16 : index
    %swap3A_52 = tpu.vector_load %arg7[%swap3A_51] {strides = array<i32>} : memref<640xf32, #tpu.memory_space<vmem>>, vector<16xf32>,
    %swap3A_53 = vector.shape_cast %swap3A_52 : vector<16xf32> to vector<16xf32>
    %swap3A_54 = vector.shape_cast %broadcast_in_dim3A_50 : vector<16xf32> to vector<16xf32>
    tpu.vector_store %arg7[%swap3A_51], %swap3A_54 {strides = array<i32>} : memref<640xf32, #tpu.memory_space<vmem>>, vector<16xf32>,
    %broadcast_in_dim3A_55 = arith.constant 0.000000e+00 : f32
    %broadcast_in_dim3A_56 = vector.broadcast %broadcast_in_dim3A_55 : f32 to vector<16xf32>
    %swap3A_57 = arith.constant 32 : index
    %swap3A_58 = tpu.vector_load %arg7[%swap3A_57] {strides = array<i32>} : memref<640xf32, #tpu.memory_space<vmem>>, vector<16xf32>,
    %swap3A_59 = vector.shape_cast %swap3A_58 : vector<16xf32> to vector<16xf32>
    %swap3A_60 = vector.shape_cast %broadcast_in_dim3A_56 : vector<16xf32> to vector<16xf32>
    tpu.vector_store %arg7[%swap3A_57], %swap3A_60 {strides = array<i32>} : memref<640xf32, #tpu.memory_space<vmem>>, vector<16xf32>,
    %broadcast_in_dim3A_61 = arith.constant 0.000000e+00 : f32
    %broadcast_in_dim3A_62 = vector.broadcast %broadcast_in_dim3A_61 : f32 to vector<16xf32>
    %swap3A_63 = arith.constant 48 : index
    %swap3A_64 = tpu.vector_load %arg7[%swap3A_63] {strides = array<i32>} : memref<640xf32, #tpu.memory_space<vmem>>, vector<16xf32>,
    %swap3A_65 = vector.shape_cast %swap3A_64 : vector<16xf32> to vector<16xf32>
    %swap3A_66 = vector.shape_cast %broadcast_in_dim3A_62 : vector<16xf32> to vector<16xf32>
    tpu.vector_store %arg7[%swap3A_63], %swap3A_66 {strides = array<i32>} : memref<640xf32, #tpu.memory_space<vmem>>, vector<16xf32>,
    %broadcast_in_dim3A_67 = arith.constant 0.000000e+00 : f32
    %broadcast_in_dim3A_68 = vector.broadcast %broadcast_in_dim3A_67 : f32 to vector<16xf32>
    %swap3A_69 = arith.constant 64 : index
    %swap3A_70 = tpu.vector_load %arg7[%swap3A_69] {strides = array<i32>} : memref<640xf32, #tpu.memory_space<vmem>>, vector<16xf32>,
    %swap3A_71 = vector.shape_cast %swap3A_70 : vector<16xf32> to vector<16xf32>
    %swap3A_72 = vector.shape_cast %broadcast_in_dim3A_68 : vector<16xf32> to vector<16xf32>
    tpu.vector_store %arg7[%swap3A_69], %swap3A_72 {strides = array<i32>} : memref<640xf32, #tpu.memory_space<vmem>>, vector<16xf32>,
    %broadcast_in_dim3A_73 = arith.constant 0.000000e+00 : f32
    %broadcast_in_dim3A_74 = vector.broadcast %broadcast_in_dim3A_73 : f32 to vector<16xf32>
    %swap3A_75 = arith.constant 80 : index
    %swap3A_76 = tpu.vector_load %arg7[%swap3A_75] {strides = array<i32>} : memref<640xf32, #tpu.memory_space<vmem>>, vector<16xf32>,
    %swap3A_77 = vector.shape_cast %swap3A_76 : vector<16xf32> to vector<16xf32>
    %swap3A_78 = vector.shape_cast %broadcast_in_dim3A_74 : vector<16xf32> to vector<16xf32>
    tpu.vector_store %arg7[%swap3A_75], %swap3A_78 {strides = array<i32>} : memref<640xf32, #tpu.memory_space<vmem>>, vector<16xf32>,
    %broadcast_in_dim3A_79 = arith.constant 0.000000e+00 : f32
    %broadcast_in_dim3A_80 = vector.broadcast %broadcast_in_dim3A_79 : f32 to vector<16xf32>
    %swap3A_81 = arith.constant 96 : index
    %swap3A_82 = tpu.vector_load %arg7[%swap3A_81] {strides = array<i32>} : memref<640xf32, #tpu.memory_space<vmem>>, vector<16xf32>,
    %swap3A_83 = vector.shape_cast %swap3A_82 : vector<16xf32> to vector<16xf32>
    %swap3A_84 = vector.shape_cast %broadcast_in_dim3A_80 : vector<16xf32> to vector<16xf32>
    tpu.vector_store %arg7[%swap3A_81], %swap3A_84 {strides = array<i32>} : memref<640xf32, #tpu.memory_space<vmem>>, vector<16xf32>,
    %broadcast_in_dim3A_85 = arith.constant 0.000000e+00 : f32
    %broadcast_in_dim3A_86 = vector.broadcast %broadcast_in_dim3A_85 : f32 to vector<16xf32>
    %swap3A_87 = arith.constant 112 : index
    %swap3A_88 = tpu.vector_load %arg7[%swap3A_87] {strides = array<i32>} : memref<640xf32, #tpu.memory_space<vmem>>, vector<16xf32>,
    %swap3A_89 = vector.shape_cast %swap3A_88 : vector<16xf32> to vector<16xf32>
    %swap3A_90 = vector.shape_cast %broadcast_in_dim3A_86 : vector<16xf32> to vector<16xf32>
    tpu.vector_store %arg7[%swap3A_87], %swap3A_90 {strides = array<i32>} : memref<640xf32, #tpu.memory_space<vmem>>, vector<16xf32>,
    %broadcast_in_dim3A_91 = arith.constant 0.000000e+00 : f32
    %broadcast_in_dim3A_92 = vector.broadcast %broadcast_in_dim3A_91 : f32 to vector<16xf32>
    %swap3A_93 = arith.constant 128 : index
    %swap3A_94 = tpu.vector_load %arg7[%swap3A_93] {strides = array<i32>} : memref<640xf32, #tpu.memory_space<vmem>>, vector<16xf32>,
    %swap3A_95 = vector.shape_cast %swap3A_94 : vector<16xf32> to vector<16xf32>
    %swap3A_96 = vector.shape_cast %broadcast_in_dim3A_92 : vector<16xf32> to vector<16xf32>
    tpu.vector_store %arg7[%swap3A_93], %swap3A_96 {strides = array<i32>} : memref<640xf32, #tpu.memory_space<vmem>>, vector<16xf32>,
    %broadcast_in_dim3A_97 = arith.constant 0.000000e+00 : f32
    %broadcast_in_dim3A_98 = vector.broadcast %broadcast_in_dim3A_97 : f32 to vector<16xf32>
    %swap3A_99 = arith.constant 144 : index
    %swap3A_100 = tpu.vector_load %arg7[%swap3A_99] {strides = array<i32>} : memref<640xf32, #tpu.memory_space<vmem>>, vector<16xf32>,
    %swap3A_101 = vector.shape_cast %swap3A_100 : vector<16xf32> to vector<16xf32>
    %swap3A_102 = vector.shape_cast %broadcast_in_dim3A_98 : vector<16xf32> to vector<16xf32>
    tpu.vector_store %arg7[%swap3A_99], %swap3A_102 {strides = array<i32>} : memref<640xf32, #tpu.memory_space<vmem>>, vector<16xf32>,
    %broadcast_in_dim3A_103 = arith.constant 0.000000e+00 : f32
    %broadcast_in_dim3A_104 = vector.broadcast %broadcast_in_dim3A_103 : f32 to vector<16xf32>
    %swap3A_105 = arith.constant 160 : index
    %swap3A_106 = tpu.vector_load %arg7[%swap3A_105] {strides = array<i32>} : memref<640xf32, #tpu.memory_space<vmem>>, vector<16xf32>,
    %swap3A_107 = vector.shape_cast %swap3A_106 : vector<16xf32> to vector<16xf32>
    %swap3A_108 = vector.shape_cast %broadcast_in_dim3A_104 : vector<16xf32> to vector<16xf32>
    tpu.vector_store %arg7[%swap3A_105], %swap3A_108 {strides = array<i32>} : memref<640xf32, #tpu.memory_space<vmem>>, vector<16xf32>,
    %broadcast_in_dim3A_109 = arith.constant 0.000000e+00 : f32
    %broadcast_in_dim3A_110 = vector.broadcast %broadcast_in_dim3A_109 : f32 to vector<16xf32>
    %swap3A_111 = arith.constant 176 : index
    %swap3A_112 = tpu.vector_load %arg7[%swap3A_111] {strides = array<i32>} : memref<640xf32, #tpu.memory_space<vmem>>, vector<16xf32>,
    %swap3A_113 = vector.shape_cast %swap3A_112 : vector<16xf32> to vector<16xf32>
    %swap3A_114 = vector.shape_cast %broadcast_in_dim3A_110 : vector<16xf32> to vector<16xf32>
    tpu.vector_store %arg7[%swap3A_111], %swap3A_114 {strides = array<i32>} : memref<640xf32, #tpu.memory_space<vmem>>, vector<16xf32>,
    %broadcast_in_dim3A_115 = arith.constant 0.000000e+00 : f32
    %broadcast_in_dim3A_116 = vector.broadcast %broadcast_in_dim3A_115 : f32 to vector<16xf32>
    %swap3A_117 = arith.constant 192 : index
    %swap3A_118 = tpu.vector_load %arg7[%swap3A_117] {strides = array<i32>} : memref<640xf32, #tpu.memory_space<vmem>>, vector<16xf32>,
    %swap3A_119 = vector.shape_cast %swap3A_118 : vector<16xf32> to vector<16xf32>
    %swap3A_120 = vector.shape_cast %broadcast_in_dim3A_116 : vector<16xf32> to vector<16xf32>
    tpu.vector_store %arg7[%swap3A_117], %swap3A_120 {strides = array<i32>} : memref<640xf32, #tpu.memory_space<vmem>>, vector<16xf32>,
    %broadcast_in_dim3A_121 = arith.constant 0.000000e+00 : f32
    %broadcast_in_dim3A_122 = vector.broadcast %broadcast_in_dim3A_121 : f32 to vector<16xf32>
    %swap3A_123 = arith.constant 208 : index
    %swap3A_124 = tpu.vector_load %arg7[%swap3A_123] {strides = array<i32>} : memref<640xf32, #tpu.memory_space<vmem>>, vector<16xf32>,
    %swap3A_125 = vector.shape_cast %swap3A_124 : vector<16xf32> to vector<16xf32>
    %swap3A_126 = vector.shape_cast %broadcast_in_dim3A_122 : vector<16xf32> to vector<16xf32>
    tpu.vector_store %arg7[%swap3A_123], %swap3A_126 {strides = array<i32>} : memref<640xf32, #tpu.memory_space<vmem>>, vector<16xf32>,
    %broadcast_in_dim3A_127 = arith.constant 0.000000e+00 : f32
    %broadcast_in_dim3A_128 = vector.broadcast %broadcast_in_dim3A_127 : f32 to vector<16xf32>
    %swap3A_129 = arith.constant 224 : index
    %swap3A_130 = tpu.vector_load %arg7[%swap3A_129] {strides = array<i32>} : memref<640xf32, #tpu.memory_space<vmem>>, vector<16xf32>,
    %swap3A_131 = vector.shape_cast %swap3A_130 : vector<16xf32> to vector<16xf32>
    %swap3A_132 = vector.shape_cast %broadcast_in_dim3A_128 : vector<16xf32> to vector<16xf32>
    tpu.vector_store %arg7[%swap3A_129], %swap3A_132 {strides = array<i32>} : memref<640xf32, #tpu.memory_space<vmem>>, vector<16xf32>,
    %broadcast_in_dim3A_133 = arith.constant 0.000000e+00 : f32
    %broadcast_in_dim3A_134 = vector.broadcast %broadcast_in_dim3A_133 : f32 to vector<16xf32>
    %swap3A_135 = arith.constant 240 : index
    %swap3A_136 = tpu.vector_load %arg7[%swap3A_135] {strides = array<i32>} : memref<640xf32, #tpu.memory_space<vmem>>, vector<16xf32>,
    %swap3A_137 = vector.shape_cast %swap3A_136 : vector<16xf32> to vector<16xf32>
    %swap3A_138 = vector.shape_cast %broadcast_in_dim3A_134 : vector<16xf32> to vector<16xf32>
    tpu.vector_store %arg7[%swap3A_135], %swap3A_138 {strides = array<i32>} : memref<640xf32, #tpu.memory_space<vmem>>, vector<16xf32>,
    %broadcast_in_dim3A_139 = arith.constant 0.000000e+00 : f32
    %broadcast_in_dim3A_140 = vector.broadcast %broadcast_in_dim3A_139 : f32 to vector<16xf32>
    %swap3A_141 = arith.constant 256 : index
    %swap3A_142 = tpu.vector_load %arg7[%swap3A_141] {strides = array<i32>} : memref<640xf32, #tpu.memory_space<vmem>>, vector<16xf32>,
    %swap3A_143 = vector.shape_cast %swap3A_142 : vector<16xf32> to vector<16xf32>
    %swap3A_144 = vector.shape_cast %broadcast_in_dim3A_140 : vector<16xf32> to vector<16xf32>
    tpu.vector_store %arg7[%swap3A_141], %swap3A_144 {strides = array<i32>} : memref<640xf32, #tpu.memory_space<vmem>>, vector<16xf32>,
    %broadcast_in_dim3A_145 = arith.constant 0.000000e+00 : f32
    %broadcast_in_dim3A_146 = vector.broadcast %broadcast_in_dim3A_145 : f32 to vector<16xf32>
    %swap3A_147 = arith.constant 272 : index
    %swap3A_148 = tpu.vector_load %arg7[%swap3A_147] {strides = array<i32>} : memref<640xf32, #tpu.memory_space<vmem>>, vector<16xf32>,
    %swap3A_149 = vector.shape_cast %swap3A_148 : vector<16xf32> to vector<16xf32>
    %swap3A_150 = vector.shape_cast %broadcast_in_dim3A_146 : vector<16xf32> to vector<16xf32>
    tpu.vector_store %arg7[%swap3A_147], %swap3A_150 {strides = array<i32>} : memref<640xf32, #tpu.memory_space<vmem>>, vector<16xf32>,
    %broadcast_in_dim3A_151 = arith.constant 0.000000e+00 : f32
    %broadcast_in_dim3A_152 = vector.broadcast %broadcast_in_dim3A_151 : f32 to vector<16xf32>
    %swap3A_153 = arith.constant 288 : index
    %swap3A_154 = tpu.vector_load %arg7[%swap3A_153] {strides = array<i32>} : memref<640xf32, #tpu.memory_space<vmem>>, vector<16xf32>,
    %swap3A_155 = vector.shape_cast %swap3A_154 : vector<16xf32> to vector<16xf32>
    %swap3A_156 = vector.shape_cast %broadcast_in_dim3A_152 : vector<16xf32> to vector<16xf32>
    tpu.vector_store %arg7[%swap3A_153], %swap3A_156 {strides = array<i32>} : memref<640xf32, #tpu.memory_space<vmem>>, vector<16xf32>,
    %broadcast_in_dim3A_157 = arith.constant 0.000000e+00 : f32
    %broadcast_in_dim3A_158 = vector.broadcast %broadcast_in_dim3A_157 : f32 to vector<16xf32>
    %swap3A_159 = arith.constant 304 : index
    %swap3A_160 = tpu.vector_load %arg7[%swap3A_159] {strides = array<i32>} : memref<640xf32, #tpu.memory_space<vmem>>, vector<16xf32>,
    %swap3A_161 = vector.shape_cast %swap3A_160 : vector<16xf32> to vector<16xf32>
    %swap3A_162 = vector.shape_cast %broadcast_in_dim3A_158 : vector<16xf32> to vector<16xf32>
    tpu.vector_store %arg7[%swap3A_159], %swap3A_162 {strides = array<i32>} : memref<640xf32, #tpu.memory_space<vmem>>, vector<16xf32>,
    %broadcast_in_dim3A_163 = arith.constant 0.000000e+00 : f32
    %broadcast_in_dim3A_164 = vector.broadcast %broadcast_in_dim3A_163 : f32 to vector<16xf32>
    %swap3A_165 = arith.constant 320 : index
    %swap3A_166 = tpu.vector_load %arg7[%swap3A_165] {strides = array<i32>} : memref<640xf32, #tpu.memory_space<vmem>>, vector<16xf32>,
    %swap3A_167 = vector.shape_cast %swap3A_166 : vector<16xf32> to vector<16xf32>
    %swap3A_168 = vector.shape_cast %broadcast_in_dim3A_164 : vector<16xf32> to vector<16xf32>
    tpu.vector_store %arg7[%swap3A_165], %swap3A_168 {strides = array<i32>} : memref<640xf32, #tpu.memory_space<vmem>>, vector<16xf32>,
    %broadcast_in_dim3A_169 = arith.constant 0.000000e+00 : f32
    %broadcast_in_dim3A_170 = vector.broadcast %broadcast_in_dim3A_169 : f32 to vector<16xf32>
    %swap3A_171 = arith.constant 336 : index
    %swap3A_172 = tpu.vector_load %arg7[%swap3A_171] {strides = array<i32>} : memref<640xf32, #tpu.memory_space<vmem>>, vector<16xf32>,
    %swap3A_173 = vector.shape_cast %swap3A_172 : vector<16xf32> to vector<16xf32>
    %swap3A_174 = vector.shape_cast %broadcast_in_dim3A_170 : vector<16xf32> to vector<16xf32>
    tpu.vector_store %arg7[%swap3A_171], %swap3A_174 {strides = array<i32>} : memref<640xf32, #tpu.memory_space<vmem>>, vector<16xf32>,
    %broadcast_in_dim3A_175 = arith.constant 0.000000e+00 : f32
    %broadcast_in_dim3A_176 = vector.broadcast %broadcast_in_dim3A_175 : f32 to vector<16xf32>
    %swap3A_177 = arith.constant 352 : index
    %swap3A_178 = tpu.vector_load %arg7[%swap3A_177] {strides = array<i32>} : memref<640xf32, #tpu.memory_space<vmem>>, vector<16xf32>,
    %swap3A_179 = vector.shape_cast %swap3A_178 : vector<16xf32> to vector<16xf32>
    %swap3A_180 = vector.shape_cast %broadcast_in_dim3A_176 : vector<16xf32> to vector<16xf32>
    tpu.vector_store %arg7[%swap3A_177], %swap3A_180 {strides = array<i32>} : memref<640xf32, #tpu.memory_space<vmem>>, vector<16xf32>,
    %broadcast_in_dim3A_181 = arith.constant 0.000000e+00 : f32
    %broadcast_in_dim3A_182 = vector.broadcast %broadcast_in_dim3A_181 : f32 to vector<16xf32>
    %swap3A_183 = arith.constant 368 : index
    %swap3A_184 = tpu.vector_load %arg7[%swap3A_183] {strides = array<i32>} : memref<640xf32, #tpu.memory_space<vmem>>, vector<16xf32>,
    %swap3A_185 = vector.shape_cast %swap3A_184 : vector<16xf32> to vector<16xf32>
    %swap3A_186 = vector.shape_cast %broadcast_in_dim3A_182 : vector<16xf32> to vector<16xf32>
    tpu.vector_store %arg7[%swap3A_183], %swap3A_186 {strides = array<i32>} : memref<640xf32, #tpu.memory_space<vmem>>, vector<16xf32>,
    %broadcast_in_dim3A_187 = arith.constant 0.000000e+00 : f32
    %broadcast_in_dim3A_188 = vector.broadcast %broadcast_in_dim3A_187 : f32 to vector<16xf32>
    %swap3A_189 = arith.constant 384 : index
    %swap3A_190 = tpu.vector_load %arg7[%swap3A_189] {strides = array<i32>} : memref<640xf32, #tpu.memory_space<vmem>>, vector<16xf32>,
    %swap3A_191 = vector.shape_cast %swap3A_190 : vector<16xf32> to vector<16xf32>
    %swap3A_192 = vector.shape_cast %broadcast_in_dim3A_188 : vector<16xf32> to vector<16xf32>
    tpu.vector_store %arg7[%swap3A_189], %swap3A_192 {strides = array<i32>} : memref<640xf32, #tpu.memory_space<vmem>>, vector<16xf32>,
    %broadcast_in_dim3A_193 = arith.constant 0.000000e+00 : f32
    %broadcast_in_dim3A_194 = vector.broadcast %broadcast_in_dim3A_193 : f32 to vector<16xf32>
    %swap3A_195 = arith.constant 400 : index
    %swap3A_196 = tpu.vector_load %arg7[%swap3A_195] {strides = array<i32>} : memref<640xf32, #tpu.memory_space<vmem>>, vector<16xf32>,
    %swap3A_197 = vector.shape_cast %swap3A_196 : vector<16xf32> to vector<16xf32>
    %swap3A_198 = vector.shape_cast %broadcast_in_dim3A_194 : vector<16xf32> to vector<16xf32>
    tpu.vector_store %arg7[%swap3A_195], %swap3A_198 {strides = array<i32>} : memref<640xf32, #tpu.memory_space<vmem>>, vector<16xf32>,
    %broadcast_in_dim3A_199 = arith.constant 0.000000e+00 : f32
    %broadcast_in_dim3A_200 = vector.broadcast %broadcast_in_dim3A_199 : f32 to vector<16xf32>
    %swap3A_201 = arith.constant 416 : index
    %swap3A_202 = tpu.vector_load %arg7[%swap3A_201] {strides = array<i32>} : memref<640xf32, #tpu.memory_space<vmem>>, vector<16xf32>,
    %swap3A_203 = vector.shape_cast %swap3A_202 : vector<16xf32> to vector<16xf32>
    %swap3A_204 = vector.shape_cast %broadcast_in_dim3A_200 : vector<16xf32> to vector<16xf32>
    tpu.vector_store %arg7[%swap3A_201], %swap3A_204 {strides = array<i32>} : memref<640xf32, #tpu.memory_space<vmem>>, vector<16xf32>,
    %broadcast_in_dim3A_205 = arith.constant 0.000000e+00 : f32
    %broadcast_in_dim3A_206 = vector.broadcast %broadcast_in_dim3A_205 : f32 to vector<16xf32>
    %swap3A_207 = arith.constant 432 : index
    %swap3A_208 = tpu.vector_load %arg7[%swap3A_207] {strides = array<i32>} : memref<640xf32, #tpu.memory_space<vmem>>, vector<16xf32>,
    %swap3A_209 = vector.shape_cast %swap3A_208 : vector<16xf32> to vector<16xf32>
    %swap3A_210 = vector.shape_cast %broadcast_in_dim3A_206 : vector<16xf32> to vector<16xf32>
    tpu.vector_store %arg7[%swap3A_207], %swap3A_210 {strides = array<i32>} : memref<640xf32, #tpu.memory_space<vmem>>, vector<16xf32>,
    %broadcast_in_dim3A_211 = arith.constant 0.000000e+00 : f32
    %broadcast_in_dim3A_212 = vector.broadcast %broadcast_in_dim3A_211 : f32 to vector<16xf32>
    %swap3A_213 = arith.constant 448 : index
    %swap3A_214 = tpu.vector_load %arg7[%swap3A_213] {strides = array<i32>} : memref<640xf32, #tpu.memory_space<vmem>>, vector<16xf32>,
    %swap3A_215 = vector.shape_cast %swap3A_214 : vector<16xf32> to vector<16xf32>
    %swap3A_216 = vector.shape_cast %broadcast_in_dim3A_212 : vector<16xf32> to vector<16xf32>
    tpu.vector_store %arg7[%swap3A_213], %swap3A_216 {strides = array<i32>} : memref<640xf32, #tpu.memory_space<vmem>>, vector<16xf32>,
    %broadcast_in_dim3A_217 = arith.constant 0.000000e+00 : f32
    %broadcast_in_dim3A_218 = vector.broadcast %broadcast_in_dim3A_217 : f32 to vector<16xf32>
    %swap3A_219 = arith.constant 464 : index
    %swap3A_220 = tpu.vector_load %arg7[%swap3A_219] {strides = array<i32>} : memref<640xf32, #tpu.memory_space<vmem>>, vector<16xf32>,
    %swap3A_221 = vector.shape_cast %swap3A_220 : vector<16xf32> to vector<16xf32>
    %swap3A_222 = vector.shape_cast %broadcast_in_dim3A_218 : vector<16xf32> to vector<16xf32>
    tpu.vector_store %arg7[%swap3A_219], %swap3A_222 {strides = array<i32>} : memref<640xf32, #tpu.memory_space<vmem>>, vector<16xf32>,
    %broadcast_in_dim3A_223 = arith.constant 0.000000e+00 : f32
    %broadcast_in_dim3A_224 = vector.broadcast %broadcast_in_dim3A_223 : f32 to vector<16xf32>
    %swap3A_225 = arith.constant 480 : index
    %swap3A_226 = tpu.vector_load %arg7[%swap3A_225] {strides = array<i32>} : memref<640xf32, #tpu.memory_space<vmem>>, vector<16xf32>,
    %swap3A_227 = vector.shape_cast %swap3A_226 : vector<16xf32> to vector<16xf32>
    %swap3A_228 = vector.shape_cast %broadcast_in_dim3A_224 : vector<16xf32> to vector<16xf32>
    tpu.vector_store %arg7[%swap3A_225], %swap3A_228 {strides = array<i32>} : memref<640xf32, #tpu.memory_space<vmem>>, vector<16xf32>,
    %broadcast_in_dim3A_229 = arith.constant 0.000000e+00 : f32
    %broadcast_in_dim3A_230 = vector.broadcast %broadcast_in_dim3A_229 : f32 to vector<16xf32>
    %swap3A_231 = arith.constant 496 : index
    %swap3A_232 = tpu.vector_load %arg7[%swap3A_231] {strides = array<i32>} : memref<640xf32, #tpu.memory_space<vmem>>, vector<16xf32>,
    %swap3A_233 = vector.shape_cast %swap3A_232 : vector<16xf32> to vector<16xf32>
    %swap3A_234 = vector.shape_cast %broadcast_in_dim3A_230 : vector<16xf32> to vector<16xf32>
    tpu.vector_store %arg7[%swap3A_231], %swap3A_234 {strides = array<i32>} : memref<640xf32, #tpu.memory_space<vmem>>, vector<16xf32>,
    %broadcast_in_dim3A_235 = arith.constant 0.000000e+00 : f32
    %broadcast_in_dim3A_236 = vector.broadcast %broadcast_in_dim3A_235 : f32 to vector<16xf32>
    %swap3A_237 = arith.constant 512 : index
    %swap3A_238 = tpu.vector_load %arg7[%swap3A_237] {strides = array<i32>} : memref<640xf32, #tpu.memory_space<vmem>>, vector<16xf32>,
    %swap3A_239 = vector.shape_cast %swap3A_238 : vector<16xf32> to vector<16xf32>
    %swap3A_240 = vector.shape_cast %broadcast_in_dim3A_236 : vector<16xf32> to vector<16xf32>
    tpu.vector_store %arg7[%swap3A_237], %swap3A_240 {strides = array<i32>} : memref<640xf32, #tpu.memory_space<vmem>>, vector<16xf32>,
    %broadcast_in_dim3A_241 = arith.constant 0.000000e+00 : f32
    %broadcast_in_dim3A_242 = vector.broadcast %broadcast_in_dim3A_241 : f32 to vector<16xf32>
    %swap3A_243 = arith.constant 528 : index
    %swap3A_244 = tpu.vector_load %arg7[%swap3A_243] {strides = array<i32>} : memref<640xf32, #tpu.memory_space<vmem>>, vector<16xf32>,
    %swap3A_245 = vector.shape_cast %swap3A_244 : vector<16xf32> to vector<16xf32>
    %swap3A_246 = vector.shape_cast %broadcast_in_dim3A_242 : vector<16xf32> to vector<16xf32>
    tpu.vector_store %arg7[%swap3A_243], %swap3A_246 {strides = array<i32>} : memref<640xf32, #tpu.memory_space<vmem>>, vector<16xf32>,
    %broadcast_in_dim3A_247 = arith.constant 0.000000e+00 : f32
    %broadcast_in_dim3A_248 = vector.broadcast %broadcast_in_dim3A_247 : f32 to vector<16xf32>
    %swap3A_249 = arith.constant 544 : index
    %swap3A_250 = tpu.vector_load %arg7[%swap3A_249] {strides = array<i32>} : memref<640xf32, #tpu.memory_space<vmem>>, vector<16xf32>,
    %swap3A_251 = vector.shape_cast %swap3A_250 : vector<16xf32> to vector<16xf32>
    %swap3A_252 = vector.shape_cast %broadcast_in_dim3A_248 : vector<16xf32> to vector<16xf32>
    tpu.vector_store %arg7[%swap3A_249], %swap3A_252 {strides = array<i32>} : memref<640xf32, #tpu.memory_space<vmem>>, vector<16xf32>,
    %broadcast_in_dim3A_253 = arith.constant 0.000000e+00 : f32
    %broadcast_in_dim3A_254 = vector.broadcast %broadcast_in_dim3A_253 : f32 to vector<16xf32>
    %swap3A_255 = arith.constant 560 : index
    %swap3A_256 = tpu.vector_load %arg7[%swap3A_255] {strides = array<i32>} : memref<640xf32, #tpu.memory_space<vmem>>, vector<16xf32>,
    %swap3A_257 = vector.shape_cast %swap3A_256 : vector<16xf32> to vector<16xf32>
    %swap3A_258 = vector.shape_cast %broadcast_in_dim3A_254 : vector<16xf32> to vector<16xf32>
    tpu.vector_store %arg7[%swap3A_255], %swap3A_258 {strides = array<i32>} : memref<640xf32, #tpu.memory_space<vmem>>, vector<16xf32>,
    %broadcast_in_dim3A_259 = arith.constant 0.000000e+00 : f32
    %broadcast_in_dim3A_260 = vector.broadcast %broadcast_in_dim3A_259 : f32 to vector<16xf32>
    %swap3A_261 = arith.constant 576 : index
    %swap3A_262 = tpu.vector_load %arg7[%swap3A_261] {strides = array<i32>} : memref<640xf32, #tpu.memory_space<vmem>>, vector<16xf32>,
    %swap3A_263 = vector.shape_cast %swap3A_262 : vector<16xf32> to vector<16xf32>
    %swap3A_264 = vector.shape_cast %broadcast_in_dim3A_260 : vector<16xf32> to vector<16xf32>
    tpu.vector_store %arg7[%swap3A_261], %swap3A_264 {strides = array<i32>} : memref<640xf32, #tpu.memory_space<vmem>>, vector<16xf32>,
    %broadcast_in_dim3A_265 = arith.constant 0.000000e+00 : f32
    %broadcast_in_dim3A_266 = vector.broadcast %broadcast_in_dim3A_265 : f32 to vector<16xf32>
    %swap3A_267 = arith.constant 592 : index
    %swap3A_268 = tpu.vector_load %arg7[%swap3A_267] {strides = array<i32>} : memref<640xf32, #tpu.memory_space<vmem>>, vector<16xf32>,
    %swap3A_269 = vector.shape_cast %swap3A_268 : vector<16xf32> to vector<16xf32>
    %swap3A_270 = vector.shape_cast %broadcast_in_dim3A_266 : vector<16xf32> to vector<16xf32>
    tpu.vector_store %arg7[%swap3A_267], %swap3A_270 {strides = array<i32>} : memref<640xf32, #tpu.memory_space<vmem>>, vector<16xf32>,
    %broadcast_in_dim3A_271 = arith.constant 0.000000e+00 : f32
    %broadcast_in_dim3A_272 = vector.broadcast %broadcast_in_dim3A_271 : f32 to vector<16xf32>
    %swap3A_273 = arith.constant 608 : index
    %swap3A_274 = tpu.vector_load %arg7[%swap3A_273] {strides = array<i32>} : memref<640xf32, #tpu.memory_space<vmem>>, vector<16xf32>,
    %swap3A_275 = vector.shape_cast %swap3A_274 : vector<16xf32> to vector<16xf32>
    %swap3A_276 = vector.shape_cast %broadcast_in_dim3A_272 : vector<16xf32> to vector<16xf32>
    tpu.vector_store %arg7[%swap3A_273], %swap3A_276 {strides = array<i32>} : memref<640xf32, #tpu.memory_space<vmem>>, vector<16xf32>,
    %broadcast_in_dim3A_277 = arith.constant 0.000000e+00 : f32
    %broadcast_in_dim3A_278 = vector.broadcast %broadcast_in_dim3A_277 : f32 to vector<16xf32>
    %swap3A_279 = arith.constant 624 : index
    %swap3A_280 = tpu.vector_load %arg7[%swap3A_279] {strides = array<i32>} : memref<640xf32, #tpu.memory_space<vmem>>, vector<16xf32>,
    %swap3A_281 = vector.shape_cast %swap3A_280 : vector<16xf32> to vector<16xf32>
    %swap3A_282 = vector.shape_cast %broadcast_in_dim3A_278 : vector<16xf32> to vector<16xf32>
    tpu.vector_store %arg7[%swap3A_279], %swap3A_282 {strides = array<i32>} : memref<640xf32, #tpu.memory_space<vmem>>, vector<16xf32>,
    %mul3A_283 = arith.constant 640 : i32
    %mul3A_284 = arith.muli %arg1, %mul3A_283 : i32
    "tpu.region"() ({
      %run_scoped3A = tpu.sem_alloc : memref<!tpu.dma_semaphore, #tpu.memory_space<semaphore_mem>>
      %dma_start3A = tpu.memref_slice %arg8[%mul3A_284] : memref<10240xf32, #tpu.memory_space<vmem_shared>> -> memref<640xf32, #tpu.memory_space<vmem_shared>>
      %dma_start3A_298 = tpu.memref_slice %arg8[%mul3A_284] : memref<10240xf32, #tpu.memory_space<vmem_shared>> -> memref<640xf32, #tpu.memory_space<vmem_shared>>
      tpu.enqueue_dma source(%arg7 : memref<640xf32, #tpu.memory_space<vmem>>) target(%dma_start3A_298 : memref<640xf32, #tpu.memory_space<vmem_shared>>) target_semaphore(%run_scoped3A : memref<!tpu.dma_semaphore, #tpu.memory_space<semaphore_mem>>)
      %dma_wait3A = tpu.memref_slice %arg8[%mul3A_284] : memref<10240xf32, #tpu.memory_space<vmem_shared>> -> memref<640xf32, #tpu.memory_space<vmem_shared>>
      %dma_wait3A_299 = tpu.memref_slice %arg8[%mul3A_284] : memref<10240xf32, #tpu.memory_space<vmem_shared>> -> memref<640xf32, #tpu.memory_space<vmem_shared>>
      tpu.wait_dma2 semaphore(%run_scoped3A : memref<!tpu.dma_semaphore, #tpu.memory_space<semaphore_mem>>) src(%arg7 : memref<640xf32, #tpu.memory_space<vmem>>) dst(%dma_wait3A_299 : memref<640xf32, #tpu.memory_space<vmem_shared>>)
      tpu.yield
    }) : () -> ()
    %barrier3A = arith.constant 0 : index
    tpu.barrier barrier_id(%barrier3A)
    %scan3A = arith.constant 0 : i32
    %scan3A_285 = arith.constant 0 : i32
    %scan3A_286 = arith.constant 90 : i32
    %scan3A_287 = arith.addi %scan3A_285, %scan3A_286 : i32
    %scan3A_288 = arith.constant 1 : i32
    scf.for %scan3A_298 = %scan3A_285 to %scan3A_287 step %scan3A_288  : i32 {
      "tpu.region"() ({
        %run_scoped3A = tpu.sem_alloc : memref<!tpu.dma_semaphore, #tpu.memory_space<semaphore_mem>>
        %dma_start3A = arith.constant 0 : i32
        %dma_start3A_299 = tpu.memref_slice %arg5[%scan3A_298, %dma_start3A] : memref<90x112xi32, #tpu.memory_space<vmem>> -> memref<1x112xi32, #tpu.memory_space<vmem>>
        %dma_start3A_300 = tpu.memref_squeeze %dma_start3A_299 : memref<1x112xi32, #tpu.memory_space<vmem>> -> memref<112xi32, #tpu.memory_space<vmem>>
        %dma_start3A_301 = arith.constant 0 : i32
        %dma_start3A_302 = tpu.memref_slice %arg8[%dma_start3A_301] : memref<10240xf32, #tpu.memory_space<vmem_shared>> -> memref<10240xf32, #tpu.memory_space<vmem_shared>>
        tpu.enqueue_indirect_dma source(%arg6 : memref<112xf32, #tpu.memory_space<vmem>>) target(%dma_start3A_302 : memref<10240xf32, #tpu.memory_space<vmem_shared>>) offsets(%dma_start3A_300 : memref<112xi32, #tpu.memory_space<vmem>>) semaphore(%run_scoped3A : memref<!tpu.dma_semaphore, #tpu.memory_space<semaphore_mem>>) {add = true}
        %dma_wait3A = arith.constant 0 : i32
        %dma_wait3A_303 = tpu.memref_slice %arg5[%scan3A_298, %dma_wait3A] : memref<90x112xi32, #tpu.memory_space<vmem>> -> memref<1x112xi32, #tpu.memory_space<vmem>>
        %dma_wait3A_304 = tpu.memref_squeeze %dma_wait3A_303 : memref<1x112xi32, #tpu.memory_space<vmem>> -> memref<112xi32, #tpu.memory_space<vmem>>
        %dma_wait3A_305 = arith.constant 0 : i32
        %dma_wait3A_306 = tpu.memref_slice %arg8[%dma_wait3A_305] : memref<10240xf32, #tpu.memory_space<vmem_shared>> -> memref<10240xf32, #tpu.memory_space<vmem_shared>>
        tpu.wait_indirect_dma semaphore(%run_scoped3A : memref<!tpu.dma_semaphore, #tpu.memory_space<semaphore_mem>>) src(%arg6 : memref<112xf32, #tpu.memory_space<vmem>>) dst(%dma_wait3A_306 : memref<10240xf32, #tpu.memory_space<vmem_shared>>)
        tpu.yield
      }) : () -> ()
    }
    %scan3A_289 = arith.constant 90 : i32
    %barrier3A_290 = arith.constant 0 : index
    tpu.barrier barrier_id(%barrier3A_290)
    %eq3A = arith.constant 0 : i32
    %eq3A_291 = arith.cmpi eq, %arg0, %eq3A : i32
    %convert_element_type3A = arith.extui %eq3A_291 : i1 to i32
    %cond3A = arith.constant 0 : i32
    %cond3A_292 = arith.cmpi ne, %convert_element_type3A, %cond3A : i32
    scf.if %cond3A_292 {
      %mul3A_298 = arith.constant 640 : i32
      %mul3A_299 = arith.muli %arg1, %mul3A_298 : i32
      %mul3A_300 = arith.constant 640 : i32
      %mul3A_301 = arith.muli %arg1, %mul3A_300 : i32
      "tpu.region"() ({
        %run_scoped3A = tpu.sem_alloc : memref<!tpu.dma_semaphore, #tpu.memory_space<semaphore_mem>>
        %dma_start3A = tpu.memref_slice %arg3[%mul3A_301] : memref<10240xf32, #tpu.memory_space<hbm>> -> memref<640xf32, #tpu.memory_space<hbm>>
        %dma_start3A_302 = tpu.memref_slice %arg8[%mul3A_299] : memref<10240xf32, #tpu.memory_space<vmem_shared>> -> memref<640xf32, #tpu.memory_space<vmem_shared>>
        tpu.enqueue_dma source(%dma_start3A_302 : memref<640xf32, #tpu.memory_space<vmem_shared>>) target(%dma_start3A : memref<640xf32, #tpu.memory_space<hbm>>) target_semaphore(%run_scoped3A : memref<!tpu.dma_semaphore, #tpu.memory_space<semaphore_mem>>)
        %dma_wait3A = tpu.memref_slice %arg3[%mul3A_301] : memref<10240xf32, #tpu.memory_space<hbm>> -> memref<640xf32, #tpu.memory_space<hbm>>
        %dma_wait3A_303 = tpu.memref_slice %arg8[%mul3A_299] : memref<10240xf32, #tpu.memory_space<vmem_shared>> -> memref<640xf32, #tpu.memory_space<vmem_shared>>
        tpu.wait_dma2 semaphore(%run_scoped3A : memref<!tpu.dma_semaphore, #tpu.memory_space<semaphore_mem>>) src(%dma_wait3A_303 : memref<640xf32, #tpu.memory_space<vmem_shared>>) dst(%dma_wait3A : memref<640xf32, #tpu.memory_space<hbm>>)
        tpu.yield
      }) : () -> ()
    } else {
    }
    %eq3A_293 = arith.constant 1 : i32
    %eq3A_294 = arith.cmpi eq, %arg0, %eq3A_293 : i32
    %convert_element_type3A_295 = arith.extui %eq3A_294 : i1 to i32
    %cond3A_296 = arith.constant 0 : i32
    %cond3A_297 = arith.cmpi ne, %convert_element_type3A_295, %cond3A_296 : i32
    scf.if %cond3A_297 {
      %mul3A_298 = arith.constant 640 : i32
      %mul3A_299 = arith.muli %arg1, %mul3A_298 : i32
      %mul3A_300 = arith.constant 640 : i32
      %mul3A_301 = arith.muli %arg1, %mul3A_300 : i32
      "tpu.region"() ({
        %run_scoped3A = tpu.sem_alloc : memref<!tpu.dma_semaphore, #tpu.memory_space<semaphore_mem>>
        %dma_start3A = tpu.memref_slice %arg4[%mul3A_301] : memref<10240xf32, #tpu.memory_space<hbm>> -> memref<640xf32, #tpu.memory_space<hbm>>
        %dma_start3A_302 = tpu.memref_slice %arg8[%mul3A_299] : memref<10240xf32, #tpu.memory_space<vmem_shared>> -> memref<640xf32, #tpu.memory_space<vmem_shared>>
        tpu.enqueue_dma source(%dma_start3A_302 : memref<640xf32, #tpu.memory_space<vmem_shared>>) target(%dma_start3A : memref<640xf32, #tpu.memory_space<hbm>>) target_semaphore(%run_scoped3A : memref<!tpu.dma_semaphore, #tpu.memory_space<semaphore_mem>>)
        %dma_wait3A = tpu.memref_slice %arg4[%mul3A_301] : memref<10240xf32, #tpu.memory_space<hbm>> -> memref<640xf32, #tpu.memory_space<hbm>>
        %dma_wait3A_303 = tpu.memref_slice %arg8[%mul3A_299] : memref<10240xf32, #tpu.memory_space<vmem_shared>> -> memref<640xf32, #tpu.memory_space<vmem_shared>>
        tpu.wait_dma2 semaphore(%run_scoped3A : memref<!tpu.dma_semaphore, #tpu.memory_space<semaphore_mem>>) src(%dma_wait3A_303 : memref<640xf32, #tpu.memory_space<vmem_shared>>) dst(%dma_wait3A : memref<640xf32, #tpu.memory_space<hbm>>)
        tpu.yield
      }) : () -> ()
    } else {
    }
    return
  }
}

#map = affine_map<(d0, d1) -> (0, 0)>
module attributes {stable_mosaic.version = 14 : i64} {
  func.func @_sc_propagate(%arg0: i32, %arg1: i32, %arg2: memref<10112x128xf32, #tpu.memory_space<hbm>>, %arg3: memref<2880x112xi32, #tpu.memory_space<hbm>>, %arg4: memref<2880x112xi32, #tpu.memory_space<hbm>>, %arg5: memref<10112x128xf32, #tpu.memory_space<hbm>>, %arg6: memref<10112x128xf32, #tpu.memory_space<hbm>>, %arg7: memref<90x112xi32, #tpu.memory_space<vmem>>, %arg8: memref<90x112xi32, #tpu.memory_space<vmem>>, %arg9: memref<112x128xf32, #tpu.memory_space<vmem>>, %arg10: memref<112x128xf32, #tpu.memory_space<vmem>>, %arg11: memref<10112x128xf32, #tpu.memory_space<vmem_shared>>, %arg12: memref<!tpu.dma_semaphore, #tpu.memory_space<semaphore_mem>>, %arg13: memref<!tpu.dma_semaphore, #tpu.memory_space<semaphore_mem>>) attributes {dimension_semantics = [#tpu.dimension_semantics<core_parallel>, #tpu.dimension_semantics<subcore_parallel>], iteration_bounds = array<i64: 2, 16>, scalar_prefetch = 0 : i64, scratch_operands = 7 : i64, tpu.core_type = #tpu.core_type<sc_vector_subcore>, window_params = [{transform_indices = #map}, {transform_indices = #map}, {transform_indices = #map}, {transform_indices = #map}, {transform_indices = #map}]} {
    %eq3A = arith.constant 0 : i32
    %eq3A_0 = arith.cmpi eq, %arg0, %eq3A : i32
    %jit3A = arith.constant 90 : i32
    %jit3A_1 = arith.constant 90 : i32
    %select_n3A = arith.select %eq3A_0, %jit3A, %jit3A_1 : i32
    %eq3A_2 = arith.constant 0 : i32
    %eq3A_3 = arith.cmpi eq, %arg0, %eq3A_2 : i32
    %mul3A = arith.constant 90 : i32
    %mul3A_4 = arith.muli %arg1, %mul3A : i32
    %mul3A_5 = arith.constant 90 : i32
    %mul3A_6 = arith.muli %arg1, %mul3A_5 : i32
    %add3A = arith.constant 1440 : i32
    %add3A_7 = arith.addi %add3A, %mul3A_6 : i32
    %select_n3A_8 = arith.select %eq3A_3, %mul3A_4, %add3A_7 : i32
    "tpu.region"() ({
      %run_scoped3A = tpu.sem_alloc : memref<!tpu.dma_semaphore, #tpu.memory_space<semaphore_mem>>
      %dma_start3A_75 = arith.constant 0 : i32
      %dma_start3A_76 = tpu.memref_slice %arg3[%select_n3A_8, %dma_start3A_75] : memref<2880x112xi32, #tpu.memory_space<hbm>> -> memref<90x112xi32, #tpu.memory_space<hbm>>
      %dma_start3A_77 = arith.constant 0 : i32
      %dma_start3A_78 = tpu.memref_slice %arg3[%select_n3A_8, %dma_start3A_77] : memref<2880x112xi32, #tpu.memory_space<hbm>> -> memref<90x112xi32, #tpu.memory_space<hbm>>
      tpu.enqueue_dma source(%dma_start3A_78 : memref<90x112xi32, #tpu.memory_space<hbm>>) target(%arg7 : memref<90x112xi32, #tpu.memory_space<vmem>>) target_semaphore(%run_scoped3A : memref<!tpu.dma_semaphore, #tpu.memory_space<semaphore_mem>>)
      %dma_wait3A_79 = arith.constant 0 : i32
      %dma_wait3A_80 = tpu.memref_slice %arg3[%select_n3A_8, %dma_wait3A_79] : memref<2880x112xi32, #tpu.memory_space<hbm>> -> memref<90x112xi32, #tpu.memory_space<hbm>>
      %dma_wait3A_81 = arith.constant 0 : i32
      %dma_wait3A_82 = tpu.memref_slice %arg3[%select_n3A_8, %dma_wait3A_81] : memref<2880x112xi32, #tpu.memory_space<hbm>> -> memref<90x112xi32, #tpu.memory_space<hbm>>
      tpu.wait_dma2 semaphore(%run_scoped3A : memref<!tpu.dma_semaphore, #tpu.memory_space<semaphore_mem>>) src(%dma_wait3A_82 : memref<90x112xi32, #tpu.memory_space<hbm>>) dst(%arg7 : memref<90x112xi32, #tpu.memory_space<vmem>>)
      tpu.yield
    }) : () -> ()
    "tpu.region"() ({
      %run_scoped3A = tpu.sem_alloc : memref<!tpu.dma_semaphore, #tpu.memory_space<semaphore_mem>>
      %dma_start3A_75 = arith.constant 0 : i32
      %dma_start3A_76 = tpu.memref_slice %arg4[%select_n3A_8, %dma_start3A_75] : memref<2880x112xi32, #tpu.memory_space<hbm>> -> memref<90x112xi32, #tpu.memory_space<hbm>>
      %dma_start3A_77 = arith.constant 0 : i32
      %dma_start3A_78 = tpu.memref_slice %arg4[%select_n3A_8, %dma_start3A_77] : memref<2880x112xi32, #tpu.memory_space<hbm>> -> memref<90x112xi32, #tpu.memory_space<hbm>>
      tpu.enqueue_dma source(%dma_start3A_78 : memref<90x112xi32, #tpu.memory_space<hbm>>) target(%arg8 : memref<90x112xi32, #tpu.memory_space<vmem>>) target_semaphore(%run_scoped3A : memref<!tpu.dma_semaphore, #tpu.memory_space<semaphore_mem>>)
      %dma_wait3A_79 = arith.constant 0 : i32
      %dma_wait3A_80 = tpu.memref_slice %arg4[%select_n3A_8, %dma_wait3A_79] : memref<2880x112xi32, #tpu.memory_space<hbm>> -> memref<90x112xi32, #tpu.memory_space<hbm>>
      %dma_wait3A_81 = arith.constant 0 : i32
      %dma_wait3A_82 = tpu.memref_slice %arg4[%select_n3A_8, %dma_wait3A_81] : memref<2880x112xi32, #tpu.memory_space<hbm>> -> memref<90x112xi32, #tpu.memory_space<hbm>>
      tpu.wait_dma2 semaphore(%run_scoped3A : memref<!tpu.dma_semaphore, #tpu.memory_space<semaphore_mem>>) src(%dma_wait3A_82 : memref<90x112xi32, #tpu.memory_space<hbm>>) dst(%arg8 : memref<90x112xi32, #tpu.memory_space<vmem>>)
      tpu.yield
    }) : () -> ()
    %mul3A_9 = arith.constant 632 : i32
    %mul3A_10 = arith.muli %arg1, %mul3A_9 : i32
    %mul3A_11 = arith.constant 632 : i32
    %mul3A_12 = arith.muli %arg1, %mul3A_11 : i32
    "tpu.region"() ({
      %run_scoped3A = tpu.sem_alloc : memref<!tpu.dma_semaphore, #tpu.memory_space<semaphore_mem>>
      %dma_start3A_75 = arith.constant 0 : i32
      %dma_start3A_76 = tpu.memref_slice %arg11[%mul3A_12, %dma_start3A_75] : memref<10112x128xf32, #tpu.memory_space<vmem_shared>> -> memref<632x128xf32, #tpu.memory_space<vmem_shared>>
      %dma_start3A_77 = arith.constant 0 : i32
      %dma_start3A_78 = tpu.memref_slice %arg2[%mul3A_10, %dma_start3A_77] : memref<10112x128xf32, #tpu.memory_space<hbm>> -> memref<632x128xf32, #tpu.memory_space<hbm>>
      tpu.enqueue_dma source(%dma_start3A_78 : memref<632x128xf32, #tpu.memory_space<hbm>>) target(%dma_start3A_76 : memref<632x128xf32, #tpu.memory_space<vmem_shared>>) target_semaphore(%run_scoped3A : memref<!tpu.dma_semaphore, #tpu.memory_space<semaphore_mem>>)
      %dma_wait3A_79 = arith.constant 0 : i32
      %dma_wait3A_80 = tpu.memref_slice %arg11[%mul3A_12, %dma_wait3A_79] : memref<10112x128xf32, #tpu.memory_space<vmem_shared>> -> memref<632x128xf32, #tpu.memory_space<vmem_shared>>
      %dma_wait3A_81 = arith.constant 0 : i32
      %dma_wait3A_82 = tpu.memref_slice %arg2[%mul3A_10, %dma_wait3A_81] : memref<10112x128xf32, #tpu.memory_space<hbm>> -> memref<632x128xf32, #tpu.memory_space<hbm>>
      tpu.wait_dma2 semaphore(%run_scoped3A : memref<!tpu.dma_semaphore, #tpu.memory_space<semaphore_mem>>) src(%dma_wait3A_82 : memref<632x128xf32, #tpu.memory_space<hbm>>) dst(%dma_wait3A_80 : memref<632x128xf32, #tpu.memory_space<vmem_shared>>)
      tpu.yield
    }) : () -> ()
    %barrier3A = arith.constant 0 : index
    tpu.barrier barrier_id(%barrier3A)
    %dma_start3A = arith.constant 0 : i32
    %dma_start3A_13 = arith.constant 0 : i32
    %dma_start3A_14 = tpu.memref_slice %arg7[%dma_start3A, %dma_start3A_13] : memref<90x112xi32, #tpu.memory_space<vmem>> -> memref<1x112xi32, #tpu.memory_space<vmem>>
    %dma_start3A_15 = tpu.memref_squeeze %dma_start3A_14 : memref<1x112xi32, #tpu.memory_space<vmem>> -> memref<112xi32, #tpu.memory_space<vmem>>
    %dma_start3A_16 = arith.constant 0 : i32
    %dma_start3A_17 = arith.constant 0 : i32
    %dma_start3A_18 = tpu.memref_slice %arg2[%dma_start3A_16, %dma_start3A_17] : memref<10112x128xf32, #tpu.memory_space<hbm>> -> memref<10112x128xf32, #tpu.memory_space<hbm>>
    tpu.enqueue_indirect_dma source(%dma_start3A_18 : memref<10112x128xf32, #tpu.memory_space<hbm>>) target(%arg9 : memref<112x128xf32, #tpu.memory_space<vmem>>) offsets(%dma_start3A_15 : memref<112xi32, #tpu.memory_space<vmem>>) semaphore(%arg12 : memref<!tpu.dma_semaphore, #tpu.memory_space<semaphore_mem>>)
    %dma_start3A_19 = arith.constant 1 : i32
    %dma_start3A_20 = arith.constant 0 : i32
    %dma_start3A_21 = tpu.memref_slice %arg7[%dma_start3A_19, %dma_start3A_20] : memref<90x112xi32, #tpu.memory_space<vmem>> -> memref<1x112xi32, #tpu.memory_space<vmem>>
    %dma_start3A_22 = tpu.memref_squeeze %dma_start3A_21 : memref<1x112xi32, #tpu.memory_space<vmem>> -> memref<112xi32, #tpu.memory_space<vmem>>
    %dma_start3A_23 = arith.constant 0 : i32
    %dma_start3A_24 = arith.constant 0 : i32
    %dma_start3A_25 = tpu.memref_slice %arg2[%dma_start3A_23, %dma_start3A_24] : memref<10112x128xf32, #tpu.memory_space<hbm>> -> memref<10112x128xf32, #tpu.memory_space<hbm>>
    tpu.enqueue_indirect_dma source(%dma_start3A_25 : memref<10112x128xf32, #tpu.memory_space<hbm>>) target(%arg10 : memref<112x128xf32, #tpu.memory_space<vmem>>) offsets(%dma_start3A_22 : memref<112xi32, #tpu.memory_space<vmem>>) semaphore(%arg13 : memref<!tpu.dma_semaphore, #tpu.memory_space<semaphore_mem>>)
    %jit3A_26 = arith.constant 2 : i32
    %div3A = arith.divsi %select_n3A, %jit3A_26 : i32
    %sign3A = arith.constant 0 : i32
    %sign3A_27 = arith.cmpi sgt, %select_n3A, %sign3A : i32
    %sign3A_28 = arith.extui %sign3A_27 : i1 to i32
    %sign3A_29 = arith.constant 0 : i32
    %sign3A_30 = arith.cmpi slt, %select_n3A, %sign3A_29 : i32
    %sign3A_31 = arith.extui %sign3A_30 : i1 to i32
    %sign3A_32 = arith.subi %sign3A_28, %sign3A_31 : i32
    %sign3A_33 = arith.constant 0 : i32
    %sign3A_34 = arith.cmpi sgt, %jit3A_26, %sign3A_33 : i32
    %sign3A_35 = arith.extui %sign3A_34 : i1 to i32
    %sign3A_36 = arith.constant 0 : i32
    %sign3A_37 = arith.cmpi slt, %jit3A_26, %sign3A_36 : i32
    %sign3A_38 = arith.extui %sign3A_37 : i1 to i32
    %sign3A_39 = arith.subi %sign3A_35, %sign3A_38 : i32
    %ne3A = arith.cmpi ne, %sign3A_32, %sign3A_39 : i32
    %rem3A = arith.remsi %select_n3A, %jit3A_26 : i32
    %ne3A_40 = arith.constant 0 : i32
    %ne3A_41 = arith.cmpi ne, %rem3A, %ne3A_40 : i32
    %and3A = arith.andi %ne3A, %ne3A_41 : i1
    %sub3A = arith.constant 1 : i32
    %sub3A_42 = arith.subi %div3A, %sub3A : i32
    %select_n3A_43 = arith.select %and3A, %sub3A_42, %div3A : i32
    %while3A = arith.constant 0 : i32
    %while3A_44 = arith.constant 0 : i32
    %while3A_45 = arith.subi %select_n3A_43, %while3A_44 : i32
    %while3A_46 = arith.addi %while3A_44, %while3A_45 : i32
    %while3A_47 = arith.constant 1 : i32
    %while3A_48 = arith.divsi %while3A_45, %while3A_47 : i32
    %while3A_49 = arith.muli %while3A_48, %while3A_47 : i32
    %while3A_50 = arith.addi %while3A_44, %while3A_49 : i32
    %while3A_51 = arith.constant 1 : i32
    scf.for %while3A_75 = %while3A_44 to %while3A_50 step %while3A_51  : i32 {
      %mul3A_76 = arith.constant 2 : i32
      %mul3A_77 = arith.muli %while3A_75, %mul3A_76 : i32
      %add3A_78 = arith.constant 0 : i32
      %add3A_79 = arith.addi %mul3A_77, %add3A_78 : i32
      %dma_wait3A_80 = arith.constant 0 : i32
      %dma_wait3A_81 = tpu.memref_slice %arg7[%add3A_79, %dma_wait3A_80] : memref<90x112xi32, #tpu.memory_space<vmem>> -> memref<1x112xi32, #tpu.memory_space<vmem>>
      %dma_wait3A_82 = tpu.memref_squeeze %dma_wait3A_81 : memref<1x112xi32, #tpu.memory_space<vmem>> -> memref<112xi32, #tpu.memory_space<vmem>>
      %dma_wait3A_83 = arith.constant 0 : i32
      %dma_wait3A_84 = arith.constant 0 : i32
      %dma_wait3A_85 = tpu.memref_slice %arg2[%dma_wait3A_83, %dma_wait3A_84] : memref<10112x128xf32, #tpu.memory_space<hbm>> -> memref<10112x128xf32, #tpu.memory_space<hbm>>
      tpu.wait_indirect_dma semaphore(%arg12 : memref<!tpu.dma_semaphore, #tpu.memory_space<semaphore_mem>>) src(%dma_wait3A_85 : memref<10112x128xf32, #tpu.memory_space<hbm>>) dst(%arg9 : memref<112x128xf32, #tpu.memory_space<vmem>>)
      %add3A_86 = arith.constant 0 : i32
      %add3A_87 = arith.addi %mul3A_77, %add3A_86 : i32
      "tpu.region"() ({
        %run_scoped3A = tpu.sem_alloc : memref<!tpu.dma_semaphore, #tpu.memory_space<semaphore_mem>>
        %dma_start3A_120 = arith.constant 0 : i32
        %dma_start3A_121 = tpu.memref_slice %arg8[%add3A_87, %dma_start3A_120] : memref<90x112xi32, #tpu.memory_space<vmem>> -> memref<1x112xi32, #tpu.memory_space<vmem>>
        %dma_start3A_122 = tpu.memref_squeeze %dma_start3A_121 : memref<1x112xi32, #tpu.memory_space<vmem>> -> memref<112xi32, #tpu.memory_space<vmem>>
        %dma_start3A_123 = arith.constant 0 : i32
        %dma_start3A_124 = arith.constant 0 : i32
        %dma_start3A_125 = tpu.memref_slice %arg11[%dma_start3A_123, %dma_start3A_124] : memref<10112x128xf32, #tpu.memory_space<vmem_shared>> -> memref<10112x128xf32, #tpu.memory_space<vmem_shared>>
        tpu.enqueue_indirect_dma source(%arg9 : memref<112x128xf32, #tpu.memory_space<vmem>>) target(%dma_start3A_125 : memref<10112x128xf32, #tpu.memory_space<vmem_shared>>) offsets(%dma_start3A_122 : memref<112xi32, #tpu.memory_space<vmem>>) semaphore(%run_scoped3A : memref<!tpu.dma_semaphore, #tpu.memory_space<semaphore_mem>>) {add = true}
        %dma_wait3A_126 = arith.constant 0 : i32
        %dma_wait3A_127 = tpu.memref_slice %arg8[%add3A_87, %dma_wait3A_126] : memref<90x112xi32, #tpu.memory_space<vmem>> -> memref<1x112xi32, #tpu.memory_space<vmem>>
        %dma_wait3A_128 = tpu.memref_squeeze %dma_wait3A_127 : memref<1x112xi32, #tpu.memory_space<vmem>> -> memref<112xi32, #tpu.memory_space<vmem>>
        %dma_wait3A_129 = arith.constant 0 : i32
        %dma_wait3A_130 = arith.constant 0 : i32
        %dma_wait3A_131 = tpu.memref_slice %arg11[%dma_wait3A_129, %dma_wait3A_130] : memref<10112x128xf32, #tpu.memory_space<vmem_shared>> -> memref<10112x128xf32, #tpu.memory_space<vmem_shared>>
        tpu.wait_indirect_dma semaphore(%run_scoped3A : memref<!tpu.dma_semaphore, #tpu.memory_space<semaphore_mem>>) src(%arg9 : memref<112x128xf32, #tpu.memory_space<vmem>>) dst(%dma_wait3A_131 : memref<10112x128xf32, #tpu.memory_space<vmem_shared>>)
        tpu.yield
      }) : () -> ()
      %add3A_88 = arith.constant 2 : i32
      %add3A_89 = arith.addi %mul3A_77, %add3A_88 : i32
      %add3A_90 = arith.constant 0 : i32
      %add3A_91 = arith.addi %add3A_89, %add3A_90 : i32
      %rem3A_92 = arith.remsi %add3A_91, %select_n3A : i32
      %dma_start3A_93 = arith.constant 0 : i32
      %dma_start3A_94 = tpu.memref_slice %arg7[%rem3A_92, %dma_start3A_93] : memref<90x112xi32, #tpu.memory_space<vmem>> -> memref<1x112xi32, #tpu.memory_space<vmem>>
      %dma_start3A_95 = tpu.memref_squeeze %dma_start3A_94 : memref<1x112xi32, #tpu.memory_space<vmem>> -> memref<112xi32, #tpu.memory_space<vmem>>
      %dma_start3A_96 = arith.constant 0 : i32
      %dma_start3A_97 = arith.constant 0 : i32
      %dma_start3A_98 = tpu.memref_slice %arg2[%dma_start3A_96, %dma_start3A_97] : memref<10112x128xf32, #tpu.memory_space<hbm>> -> memref<10112x128xf32, #tpu.memory_space<hbm>>
      tpu.enqueue_indirect_dma source(%dma_start3A_98 : memref<10112x128xf32, #tpu.memory_space<hbm>>) target(%arg9 : memref<112x128xf32, #tpu.memory_space<vmem>>) offsets(%dma_start3A_95 : memref<112xi32, #tpu.memory_space<vmem>>) semaphore(%arg12 : memref<!tpu.dma_semaphore, #tpu.memory_space<semaphore_mem>>)
      %add3A_99 = arith.constant 1 : i32
      %add3A_100 = arith.addi %mul3A_77, %add3A_99 : i32
      %dma_wait3A_101 = arith.constant 0 : i32
      %dma_wait3A_102 = tpu.memref_slice %arg7[%add3A_100, %dma_wait3A_101] : memref<90x112xi32, #tpu.memory_space<vmem>> -> memref<1x112xi32, #tpu.memory_space<vmem>>
      %dma_wait3A_103 = tpu.memref_squeeze %dma_wait3A_102 : memref<1x112xi32, #tpu.memory_space<vmem>> -> memref<112xi32, #tpu.memory_space<vmem>>
      %dma_wait3A_104 = arith.constant 0 : i32
      %dma_wait3A_105 = arith.constant 0 : i32
      %dma_wait3A_106 = tpu.memref_slice %arg2[%dma_wait3A_104, %dma_wait3A_105] : memref<10112x128xf32, #tpu.memory_space<hbm>> -> memref<10112x128xf32, #tpu.memory_space<hbm>>
      tpu.wait_indirect_dma semaphore(%arg13 : memref<!tpu.dma_semaphore, #tpu.memory_space<semaphore_mem>>) src(%dma_wait3A_106 : memref<10112x128xf32, #tpu.memory_space<hbm>>) dst(%arg10 : memref<112x128xf32, #tpu.memory_space<vmem>>)
      %add3A_107 = arith.constant 1 : i32
      %add3A_108 = arith.addi %mul3A_77, %add3A_107 : i32
      "tpu.region"() ({
        %run_scoped3A = tpu.sem_alloc : memref<!tpu.dma_semaphore, #tpu.memory_space<semaphore_mem>>
        %dma_start3A_120 = arith.constant 0 : i32
        %dma_start3A_121 = tpu.memref_slice %arg8[%add3A_108, %dma_start3A_120] : memref<90x112xi32, #tpu.memory_space<vmem>> -> memref<1x112xi32, #tpu.memory_space<vmem>>
        %dma_start3A_122 = tpu.memref_squeeze %dma_start3A_121 : memref<1x112xi32, #tpu.memory_space<vmem>> -> memref<112xi32, #tpu.memory_space<vmem>>
        %dma_start3A_123 = arith.constant 0 : i32
        %dma_start3A_124 = arith.constant 0 : i32
        %dma_start3A_125 = tpu.memref_slice %arg11[%dma_start3A_123, %dma_start3A_124] : memref<10112x128xf32, #tpu.memory_space<vmem_shared>> -> memref<10112x128xf32, #tpu.memory_space<vmem_shared>>
        tpu.enqueue_indirect_dma source(%arg10 : memref<112x128xf32, #tpu.memory_space<vmem>>) target(%dma_start3A_125 : memref<10112x128xf32, #tpu.memory_space<vmem_shared>>) offsets(%dma_start3A_122 : memref<112xi32, #tpu.memory_space<vmem>>) semaphore(%run_scoped3A : memref<!tpu.dma_semaphore, #tpu.memory_space<semaphore_mem>>) {add = true}
        %dma_wait3A_126 = arith.constant 0 : i32
        %dma_wait3A_127 = tpu.memref_slice %arg8[%add3A_108, %dma_wait3A_126] : memref<90x112xi32, #tpu.memory_space<vmem>> -> memref<1x112xi32, #tpu.memory_space<vmem>>
        %dma_wait3A_128 = tpu.memref_squeeze %dma_wait3A_127 : memref<1x112xi32, #tpu.memory_space<vmem>> -> memref<112xi32, #tpu.memory_space<vmem>>
        %dma_wait3A_129 = arith.constant 0 : i32
        %dma_wait3A_130 = arith.constant 0 : i32
        %dma_wait3A_131 = tpu.memref_slice %arg11[%dma_wait3A_129, %dma_wait3A_130] : memref<10112x128xf32, #tpu.memory_space<vmem_shared>> -> memref<10112x128xf32, #tpu.memory_space<vmem_shared>>
        tpu.wait_indirect_dma semaphore(%run_scoped3A : memref<!tpu.dma_semaphore, #tpu.memory_space<semaphore_mem>>) src(%arg10 : memref<112x128xf32, #tpu.memory_space<vmem>>) dst(%dma_wait3A_131 : memref<10112x128xf32, #tpu.memory_space<vmem_shared>>)
        tpu.yield
      }) : () -> ()
      %add3A_109 = arith.constant 2 : i32
      %add3A_110 = arith.addi %mul3A_77, %add3A_109 : i32
      %add3A_111 = arith.constant 1 : i32
      %add3A_112 = arith.addi %add3A_110, %add3A_111 : i32
      %rem3A_113 = arith.remsi %add3A_112, %select_n3A : i32
      %dma_start3A_114 = arith.constant 0 : i32
      %dma_start3A_115 = tpu.memref_slice %arg7[%rem3A_113, %dma_start3A_114] : memref<90x112xi32, #tpu.memory_space<vmem>> -> memref<1x112xi32, #tpu.memory_space<vmem>>
      %dma_start3A_116 = tpu.memref_squeeze %dma_start3A_115 : memref<1x112xi32, #tpu.memory_space<vmem>> -> memref<112xi32, #tpu.memory_space<vmem>>
      %dma_start3A_117 = arith.constant 0 : i32
      %dma_start3A_118 = arith.constant 0 : i32
      %dma_start3A_119 = tpu.memref_slice %arg2[%dma_start3A_117, %dma_start3A_118] : memref<10112x128xf32, #tpu.memory_space<hbm>> -> memref<10112x128xf32, #tpu.memory_space<hbm>>
      tpu.enqueue_indirect_dma source(%dma_start3A_119 : memref<10112x128xf32, #tpu.memory_space<hbm>>) target(%arg10 : memref<112x128xf32, #tpu.memory_space<vmem>>) offsets(%dma_start3A_116 : memref<112xi32, #tpu.memory_space<vmem>>) semaphore(%arg13 : memref<!tpu.dma_semaphore, #tpu.memory_space<semaphore_mem>>)
    }
    %while3A_52 = arith.constant 1 : i32
    scf.for %while3A_75 = %while3A_50 to %while3A_46 step %while3A_52  : i32 {
      %mul3A_76 = arith.constant 2 : i32
      %mul3A_77 = arith.muli %while3A_75, %mul3A_76 : i32
      %add3A_78 = arith.constant 0 : i32
      %add3A_79 = arith.addi %mul3A_77, %add3A_78 : i32
      %dma_wait3A_80 = arith.constant 0 : i32
      %dma_wait3A_81 = tpu.memref_slice %arg7[%add3A_79, %dma_wait3A_80] : memref<90x112xi32, #tpu.memory_space<vmem>> -> memref<1x112xi32, #tpu.memory_space<vmem>>
      %dma_wait3A_82 = tpu.memref_squeeze %dma_wait3A_81 : memref<1x112xi32, #tpu.memory_space<vmem>> -> memref<112xi32, #tpu.memory_space<vmem>>
      %dma_wait3A_83 = arith.constant 0 : i32
      %dma_wait3A_84 = arith.constant 0 : i32
      %dma_wait3A_85 = tpu.memref_slice %arg2[%dma_wait3A_83, %dma_wait3A_84] : memref<10112x128xf32, #tpu.memory_space<hbm>> -> memref<10112x128xf32, #tpu.memory_space<hbm>>
      tpu.wait_indirect_dma semaphore(%arg12 : memref<!tpu.dma_semaphore, #tpu.memory_space<semaphore_mem>>) src(%dma_wait3A_85 : memref<10112x128xf32, #tpu.memory_space<hbm>>) dst(%arg9 : memref<112x128xf32, #tpu.memory_space<vmem>>)
      %add3A_86 = arith.constant 0 : i32
      %add3A_87 = arith.addi %mul3A_77, %add3A_86 : i32
      "tpu.region"() ({
        %run_scoped3A = tpu.sem_alloc : memref<!tpu.dma_semaphore, #tpu.memory_space<semaphore_mem>>
        %dma_start3A_120 = arith.constant 0 : i32
        %dma_start3A_121 = tpu.memref_slice %arg8[%add3A_87, %dma_start3A_120] : memref<90x112xi32, #tpu.memory_space<vmem>> -> memref<1x112xi32, #tpu.memory_space<vmem>>
        %dma_start3A_122 = tpu.memref_squeeze %dma_start3A_121 : memref<1x112xi32, #tpu.memory_space<vmem>> -> memref<112xi32, #tpu.memory_space<vmem>>
        %dma_start3A_123 = arith.constant 0 : i32
        %dma_start3A_124 = arith.constant 0 : i32
        %dma_start3A_125 = tpu.memref_slice %arg11[%dma_start3A_123, %dma_start3A_124] : memref<10112x128xf32, #tpu.memory_space<vmem_shared>> -> memref<10112x128xf32, #tpu.memory_space<vmem_shared>>
        tpu.enqueue_indirect_dma source(%arg9 : memref<112x128xf32, #tpu.memory_space<vmem>>) target(%dma_start3A_125 : memref<10112x128xf32, #tpu.memory_space<vmem_shared>>) offsets(%dma_start3A_122 : memref<112xi32, #tpu.memory_space<vmem>>) semaphore(%run_scoped3A : memref<!tpu.dma_semaphore, #tpu.memory_space<semaphore_mem>>) {add = true}
        %dma_wait3A_126 = arith.constant 0 : i32
        %dma_wait3A_127 = tpu.memref_slice %arg8[%add3A_87, %dma_wait3A_126] : memref<90x112xi32, #tpu.memory_space<vmem>> -> memref<1x112xi32, #tpu.memory_space<vmem>>
        %dma_wait3A_128 = tpu.memref_squeeze %dma_wait3A_127 : memref<1x112xi32, #tpu.memory_space<vmem>> -> memref<112xi32, #tpu.memory_space<vmem>>
        %dma_wait3A_129 = arith.constant 0 : i32
        %dma_wait3A_130 = arith.constant 0 : i32
        %dma_wait3A_131 = tpu.memref_slice %arg11[%dma_wait3A_129, %dma_wait3A_130] : memref<10112x128xf32, #tpu.memory_space<vmem_shared>> -> memref<10112x128xf32, #tpu.memory_space<vmem_shared>>
        tpu.wait_indirect_dma semaphore(%run_scoped3A : memref<!tpu.dma_semaphore, #tpu.memory_space<semaphore_mem>>) src(%arg9 : memref<112x128xf32, #tpu.memory_space<vmem>>) dst(%dma_wait3A_131 : memref<10112x128xf32, #tpu.memory_space<vmem_shared>>)
        tpu.yield
      }) : () -> ()
      %add3A_88 = arith.constant 2 : i32
      %add3A_89 = arith.addi %mul3A_77, %add3A_88 : i32
      %add3A_90 = arith.constant 0 : i32
      %add3A_91 = arith.addi %add3A_89, %add3A_90 : i32
      %rem3A_92 = arith.remsi %add3A_91, %select_n3A : i32
      %dma_start3A_93 = arith.constant 0 : i32
      %dma_start3A_94 = tpu.memref_slice %arg7[%rem3A_92, %dma_start3A_93] : memref<90x112xi32, #tpu.memory_space<vmem>> -> memref<1x112xi32, #tpu.memory_space<vmem>>
      %dma_start3A_95 = tpu.memref_squeeze %dma_start3A_94 : memref<1x112xi32, #tpu.memory_space<vmem>> -> memref<112xi32, #tpu.memory_space<vmem>>
      %dma_start3A_96 = arith.constant 0 : i32
      %dma_start3A_97 = arith.constant 0 : i32
      %dma_start3A_98 = tpu.memref_slice %arg2[%dma_start3A_96, %dma_start3A_97] : memref<10112x128xf32, #tpu.memory_space<hbm>> -> memref<10112x128xf32, #tpu.memory_space<hbm>>
      tpu.enqueue_indirect_dma source(%dma_start3A_98 : memref<10112x128xf32, #tpu.memory_space<hbm>>) target(%arg9 : memref<112x128xf32, #tpu.memory_space<vmem>>) offsets(%dma_start3A_95 : memref<112xi32, #tpu.memory_space<vmem>>) semaphore(%arg12 : memref<!tpu.dma_semaphore, #tpu.memory_space<semaphore_mem>>)
      %add3A_99 = arith.constant 1 : i32
      %add3A_100 = arith.addi %mul3A_77, %add3A_99 : i32
      %dma_wait3A_101 = arith.constant 0 : i32
      %dma_wait3A_102 = tpu.memref_slice %arg7[%add3A_100, %dma_wait3A_101] : memref<90x112xi32, #tpu.memory_space<vmem>> -> memref<1x112xi32, #tpu.memory_space<vmem>>
      %dma_wait3A_103 = tpu.memref_squeeze %dma_wait3A_102 : memref<1x112xi32, #tpu.memory_space<vmem>> -> memref<112xi32, #tpu.memory_space<vmem>>
      %dma_wait3A_104 = arith.constant 0 : i32
      %dma_wait3A_105 = arith.constant 0 : i32
      %dma_wait3A_106 = tpu.memref_slice %arg2[%dma_wait3A_104, %dma_wait3A_105] : memref<10112x128xf32, #tpu.memory_space<hbm>> -> memref<10112x128xf32, #tpu.memory_space<hbm>>
      tpu.wait_indirect_dma semaphore(%arg13 : memref<!tpu.dma_semaphore, #tpu.memory_space<semaphore_mem>>) src(%dma_wait3A_106 : memref<10112x128xf32, #tpu.memory_space<hbm>>) dst(%arg10 : memref<112x128xf32, #tpu.memory_space<vmem>>)
      %add3A_107 = arith.constant 1 : i32
      %add3A_108 = arith.addi %mul3A_77, %add3A_107 : i32
      "tpu.region"() ({
        %run_scoped3A = tpu.sem_alloc : memref<!tpu.dma_semaphore, #tpu.memory_space<semaphore_mem>>
        %dma_start3A_120 = arith.constant 0 : i32
        %dma_start3A_121 = tpu.memref_slice %arg8[%add3A_108, %dma_start3A_120] : memref<90x112xi32, #tpu.memory_space<vmem>> -> memref<1x112xi32, #tpu.memory_space<vmem>>
        %dma_start3A_122 = tpu.memref_squeeze %dma_start3A_121 : memref<1x112xi32, #tpu.memory_space<vmem>> -> memref<112xi32, #tpu.memory_space<vmem>>
        %dma_start3A_123 = arith.constant 0 : i32
        %dma_start3A_124 = arith.constant 0 : i32
        %dma_start3A_125 = tpu.memref_slice %arg11[%dma_start3A_123, %dma_start3A_124] : memref<10112x128xf32, #tpu.memory_space<vmem_shared>> -> memref<10112x128xf32, #tpu.memory_space<vmem_shared>>
        tpu.enqueue_indirect_dma source(%arg10 : memref<112x128xf32, #tpu.memory_space<vmem>>) target(%dma_start3A_125 : memref<10112x128xf32, #tpu.memory_space<vmem_shared>>) offsets(%dma_start3A_122 : memref<112xi32, #tpu.memory_space<vmem>>) semaphore(%run_scoped3A : memref<!tpu.dma_semaphore, #tpu.memory_space<semaphore_mem>>) {add = true}
        %dma_wait3A_126 = arith.constant 0 : i32
        %dma_wait3A_127 = tpu.memref_slice %arg8[%add3A_108, %dma_wait3A_126] : memref<90x112xi32, #tpu.memory_space<vmem>> -> memref<1x112xi32, #tpu.memory_space<vmem>>
        %dma_wait3A_128 = tpu.memref_squeeze %dma_wait3A_127 : memref<1x112xi32, #tpu.memory_space<vmem>> -> memref<112xi32, #tpu.memory_space<vmem>>
        %dma_wait3A_129 = arith.constant 0 : i32
        %dma_wait3A_130 = arith.constant 0 : i32
        %dma_wait3A_131 = tpu.memref_slice %arg11[%dma_wait3A_129, %dma_wait3A_130] : memref<10112x128xf32, #tpu.memory_space<vmem_shared>> -> memref<10112x128xf32, #tpu.memory_space<vmem_shared>>
        tpu.wait_indirect_dma semaphore(%run_scoped3A : memref<!tpu.dma_semaphore, #tpu.memory_space<semaphore_mem>>) src(%arg10 : memref<112x128xf32, #tpu.memory_space<vmem>>) dst(%dma_wait3A_131 : memref<10112x128xf32, #tpu.memory_space<vmem_shared>>)
        tpu.yield
      }) : () -> ()
      %add3A_109 = arith.constant 2 : i32
      %add3A_110 = arith.addi %mul3A_77, %add3A_109 : i32
      %add3A_111 = arith.constant 1 : i32
      %add3A_112 = arith.addi %add3A_110, %add3A_111 : i32
      %rem3A_113 = arith.remsi %add3A_112, %select_n3A : i32
      %dma_start3A_114 = arith.constant 0 : i32
      %dma_start3A_115 = tpu.memref_slice %arg7[%rem3A_113, %dma_start3A_114] : memref<90x112xi32, #tpu.memory_space<vmem>> -> memref<1x112xi32, #tpu.memory_space<vmem>>
      %dma_start3A_116 = tpu.memref_squeeze %dma_start3A_115 : memref<1x112xi32, #tpu.memory_space<vmem>> -> memref<112xi32, #tpu.memory_space<vmem>>
      %dma_start3A_117 = arith.constant 0 : i32
      %dma_start3A_118 = arith.constant 0 : i32
      %dma_start3A_119 = tpu.memref_slice %arg2[%dma_start3A_117, %dma_start3A_118] : memref<10112x128xf32, #tpu.memory_space<hbm>> -> memref<10112x128xf32, #tpu.memory_space<hbm>>
      tpu.enqueue_indirect_dma source(%dma_start3A_119 : memref<10112x128xf32, #tpu.memory_space<hbm>>) target(%arg10 : memref<112x128xf32, #tpu.memory_space<vmem>>) offsets(%dma_start3A_116 : memref<112xi32, #tpu.memory_space<vmem>>) semaphore(%arg13 : memref<!tpu.dma_semaphore, #tpu.memory_space<semaphore_mem>>)
    }
    %dma_wait3A = arith.constant 0 : i32
    %dma_wait3A_53 = arith.constant 0 : i32
    %dma_wait3A_54 = tpu.memref_slice %arg7[%dma_wait3A, %dma_wait3A_53] : memref<90x112xi32, #tpu.memory_space<vmem>> -> memref<1x112xi32, #tpu.memory_space<vmem>>
    %dma_wait3A_55 = tpu.memref_squeeze %dma_wait3A_54 : memref<1x112xi32, #tpu.memory_space<vmem>> -> memref<112xi32, #tpu.memory_space<vmem>>
    %dma_wait3A_56 = arith.constant 0 : i32
    %dma_wait3A_57 = arith.constant 0 : i32
    %dma_wait3A_58 = tpu.memref_slice %arg2[%dma_wait3A_56, %dma_wait3A_57] : memref<10112x128xf32, #tpu.memory_space<hbm>> -> memref<10112x128xf32, #tpu.memory_space<hbm>>
    tpu.wait_indirect_dma semaphore(%arg12 : memref<!tpu.dma_semaphore, #tpu.memory_space<semaphore_mem>>) src(%dma_wait3A_58 : memref<10112x128xf32, #tpu.memory_space<hbm>>) dst(%arg9 : memref<112x128xf32, #tpu.memory_space<vmem>>)
    %dma_wait3A_59 = arith.constant 1 : i32
    %dma_wait3A_60 = arith.constant 0 : i32
    %dma_wait3A_61 = tpu.memref_slice %arg7[%dma_wait3A_59, %dma_wait3A_60] : memref<90x112xi32, #tpu.memory_space<vmem>> -> memref<1x112xi32, #tpu.memory_space<vmem>>
    %dma_wait3A_62 = tpu.memref_squeeze %dma_wait3A_61 : memref<1x112xi32, #tpu.memory_space<vmem>> -> memref<112xi32, #tpu.memory_space<vmem>>
    %dma_wait3A_63 = arith.constant 0 : i32
    %dma_wait3A_64 = arith.constant 0 : i32
    %dma_wait3A_65 = tpu.memref_slice %arg2[%dma_wait3A_63, %dma_wait3A_64] : memref<10112x128xf32, #tpu.memory_space<hbm>> -> memref<10112x128xf32, #tpu.memory_space<hbm>>
    tpu.wait_indirect_dma semaphore(%arg13 : memref<!tpu.dma_semaphore, #tpu.memory_space<semaphore_mem>>) src(%dma_wait3A_65 : memref<10112x128xf32, #tpu.memory_space<hbm>>) dst(%arg10 : memref<112x128xf32, #tpu.memory_space<vmem>>)
    %barrier3A_66 = arith.constant 0 : index
    tpu.barrier barrier_id(%barrier3A_66)
    %eq3A_67 = arith.constant 0 : i32
    %eq3A_68 = arith.cmpi eq, %arg0, %eq3A_67 : i32
    %convert_element_type3A = arith.extui %eq3A_68 : i1 to i32
    %cond3A = arith.constant 0 : i32
    %cond3A_69 = arith.cmpi ne, %convert_element_type3A, %cond3A : i32
    scf.if %cond3A_69 {
      %mul3A_75 = arith.constant 632 : i32
      %mul3A_76 = arith.muli %arg1, %mul3A_75 : i32
      %mul3A_77 = arith.constant 632 : i32
      %mul3A_78 = arith.muli %arg1, %mul3A_77 : i32
      "tpu.region"() ({
        %run_scoped3A = tpu.sem_alloc : memref<!tpu.dma_semaphore, #tpu.memory_space<semaphore_mem>>
        %dma_start3A_79 = arith.constant 0 : i32
        %dma_start3A_80 = tpu.memref_slice %arg5[%mul3A_78, %dma_start3A_79] : memref<10112x128xf32, #tpu.memory_space<hbm>> -> memref<632x128xf32, #tpu.memory_space<hbm>>
        %dma_start3A_81 = arith.constant 0 : i32
        %dma_start3A_82 = tpu.memref_slice %arg11[%mul3A_76, %dma_start3A_81] : memref<10112x128xf32, #tpu.memory_space<vmem_shared>> -> memref<632x128xf32, #tpu.memory_space<vmem_shared>>
        tpu.enqueue_dma source(%dma_start3A_82 : memref<632x128xf32, #tpu.memory_space<vmem_shared>>) target(%dma_start3A_80 : memref<632x128xf32, #tpu.memory_space<hbm>>) target_semaphore(%run_scoped3A : memref<!tpu.dma_semaphore, #tpu.memory_space<semaphore_mem>>)
        %dma_wait3A_83 = arith.constant 0 : i32
        %dma_wait3A_84 = tpu.memref_slice %arg5[%mul3A_78, %dma_wait3A_83] : memref<10112x128xf32, #tpu.memory_space<hbm>> -> memref<632x128xf32, #tpu.memory_space<hbm>>
        %dma_wait3A_85 = arith.constant 0 : i32
        %dma_wait3A_86 = tpu.memref_slice %arg11[%mul3A_76, %dma_wait3A_85] : memref<10112x128xf32, #tpu.memory_space<vmem_shared>> -> memref<632x128xf32, #tpu.memory_space<vmem_shared>>
        tpu.wait_dma2 semaphore(%run_scoped3A : memref<!tpu.dma_semaphore, #tpu.memory_space<semaphore_mem>>) src(%dma_wait3A_86 : memref<632x128xf32, #tpu.memory_space<vmem_shared>>) dst(%dma_wait3A_84 : memref<632x128xf32, #tpu.memory_space<hbm>>)
        tpu.yield
      }) : () -> ()
    } else {
    }
    %eq3A_70 = arith.constant 1 : i32
    %eq3A_71 = arith.cmpi eq, %arg0, %eq3A_70 : i32
    %convert_element_type3A_72 = arith.extui %eq3A_71 : i1 to i32
    %cond3A_73 = arith.constant 0 : i32
    %cond3A_74 = arith.cmpi ne, %convert_element_type3A_72, %cond3A_73 : i32
    scf.if %cond3A_74 {
      %mul3A_75 = arith.constant 632 : i32
      %mul3A_76 = arith.muli %arg1, %mul3A_75 : i32
      %mul3A_77 = arith.constant 632 : i32
      %mul3A_78 = arith.muli %arg1, %mul3A_77 : i32
      "tpu.region"() ({
        %run_scoped3A = tpu.sem_alloc : memref<!tpu.dma_semaphore, #tpu.memory_space<semaphore_mem>>
        %dma_start3A_79 = arith.constant 0 : i32
        %dma_start3A_80 = tpu.memref_slice %arg6[%mul3A_78, %dma_start3A_79] : memref<10112x128xf32, #tpu.memory_space<hbm>> -> memref<632x128xf32, #tpu.memory_space<hbm>>
        %dma_start3A_81 = arith.constant 0 : i32
        %dma_start3A_82 = tpu.memref_slice %arg11[%mul3A_76, %dma_start3A_81] : memref<10112x128xf32, #tpu.memory_space<vmem_shared>> -> memref<632x128xf32, #tpu.memory_space<vmem_shared>>
        tpu.enqueue_dma source(%dma_start3A_82 : memref<632x128xf32, #tpu.memory_space<vmem_shared>>) target(%dma_start3A_80 : memref<632x128xf32, #tpu.memory_space<hbm>>) target_semaphore(%run_scoped3A : memref<!tpu.dma_semaphore, #tpu.memory_space<semaphore_mem>>)
        %dma_wait3A_83 = arith.constant 0 : i32
        %dma_wait3A_84 = tpu.memref_slice %arg6[%mul3A_78, %dma_wait3A_83] : memref<10112x128xf32, #tpu.memory_space<hbm>> -> memref<632x128xf32, #tpu.memory_space<hbm>>
        %dma_wait3A_85 = arith.constant 0 : i32
        %dma_wait3A_86 = tpu.memref_slice %arg11[%mul3A_76, %dma_wait3A_85] : memref<10112x128xf32, #tpu.memory_space<vmem_shared>> -> memref<632x128xf32, #tpu.memory_space<vmem_shared>>
        tpu.wait_dma2 semaphore(%run_scoped3A : memref<!tpu.dma_semaphore, #tpu.memory_space<semaphore_mem>>) src(%dma_wait3A_86 : memref<632x128xf32, #tpu.memory_space<vmem_shared>>) dst(%dma_wait3A_84 : memref<632x128xf32, #tpu.memory_space<hbm>>)
        tpu.yield
      }) : () -> ()
    } else {
    }
    return
  }
}

module attributes {stable_mosaic.version = 14 : i64} {
  func.func @_pre_body(%arg0: memref<10000x128xf32, #tpu.memory_space<vmem>>, %arg1: memref<128x128xf32, #tpu.memory_space<vmem>>, %arg2: memref<10000x1xf32, #tpu.memory_space<vmem>>, %arg3: memref<10000x1xf32, #tpu.memory_space<vmem>>, %arg4: memref<10112x128xf32, #tpu.memory_space<vmem>>, %arg5: memref<10000x1xf32, #tpu.memory_space<vmem>>) attributes {dimension_semantics = [], scalar_prefetch = 0 : i64, scratch_operands = 0 : i64, tpu.core_type = #tpu.core_type<tc>} {
    %get3A = arith.constant 0 : index
    %get3A_0 = arith.constant 0 : index
    %get3A_1 = vector.load %arg2[%get3A, %get3A_0] : memref<10000x1xf32, #tpu.memory_space<vmem>>, vector<10000x1xf32>
    %get3A_2 = arith.constant 0 : index
    %get3A_3 = arith.constant 0 : index
    %get3A_4 = vector.load %arg3[%get3A_2, %get3A_3] : memref<10000x1xf32, #tpu.memory_space<vmem>>, vector<10000x1xf32>
    %add3A = arith.addf %get3A_1, %get3A_4 : vector<10000x1xf32>
    %add3A_5 = arith.constant 1.000000e+00 : f32
    %add3A_6 = vector.broadcast %add3A_5 : f32 to vector<10000x1xf32>
    %add3A_7 = arith.addf %add3A, %add3A_6 : vector<10000x1xf32>
    %max3A = arith.constant 9.99999996E-13 : f32
    %max3A_8 = vector.broadcast %max3A : f32 to vector<10000x1xf32>
    %max3A_9 = arith.maximumf %add3A_7, %max3A_8 : vector<10000x1xf32>
    %rsqrt3A = math.rsqrt %max3A_9 : vector<10000x1xf32>
    %swap3A = arith.constant 0 : index
    %swap3A_10 = arith.constant 0 : index
    %swap3A_11 = vector.load %arg5[%swap3A, %swap3A_10] : memref<10000x1xf32, #tpu.memory_space<vmem>>, vector<10000x1xf32>
    tpu.vector_store %arg5[%swap3A, %swap3A_10], %rsqrt3A {strides = array<i32>} : memref<10000x1xf32, #tpu.memory_space<vmem>>, vector<10000x1xf32>,
    %get3A_12 = arith.constant 0 : index
    %get3A_13 = arith.constant 0 : index
    %get3A_14 = vector.load %arg0[%get3A_12, %get3A_13] : memref<10000x128xf32, #tpu.memory_space<vmem>>, vector<10000x128xf32>
    %get3A_15 = arith.constant 0 : index
    %get3A_16 = arith.constant 0 : index
    %get3A_17 = vector.load %arg1[%get3A_15, %get3A_16] : memref<128x128xf32, #tpu.memory_space<vmem>>, vector<128x128xf32>
    %dot_general3A = arith.constant dense<0.000000e+00> : vector<10000x128xf32>
    %dot_general3A_18 = tpu.matmul %get3A_14, %get3A_17, %dot_general3A {dimension_numbers = #tpu.dot_dimension_numbers<[1], [0], [0], [1], [0, 0, 1, 1], [], []>, transpose_lhs_hint = false} : vector<10000x128xf32>, vector<128x128xf32>, vector<10000x128xf32> -> vector<10000x128xf32>
    %mul3A = vector.broadcast %rsqrt3A : vector<10000x1xf32> to vector<10000x128xf32>
    %mul3A_19 = arith.mulf %dot_general3A_18, %mul3A : vector<10000x128xf32>
    %swap3A_20 = arith.constant 0 : index
    %swap3A_21 = arith.constant 0 : index
    %swap3A_22 = vector.load %arg4[%swap3A_20, %swap3A_21] : memref<10112x128xf32, #tpu.memory_space<vmem>>, vector<10000x128xf32>
    tpu.vector_store %arg4[%swap3A_20, %swap3A_21], %mul3A_19 {strides = array<i32>} : memref<10112x128xf32, #tpu.memory_space<vmem>>, vector<10000x128xf32>,
    return
  }
}

module attributes {stable_mosaic.version = 14 : i64} {
  func.func @_mid_body(%arg0: memref<10112x128xf32, #tpu.memory_space<vmem>>, %arg1: memref<10112x128xf32, #tpu.memory_space<vmem>>, %arg2: memref<10112x128xf32, #tpu.memory_space<vmem>>, %arg3: memref<10000x1xf32, #tpu.memory_space<vmem>>, %arg4: memref<1x128xf32, #tpu.memory_space<vmem>>, %arg5: memref<1x128xf32, #tpu.memory_space<vmem>>, %arg6: memref<1x128xf32, #tpu.memory_space<vmem>>, %arg7: memref<10112x128xf32, #tpu.memory_space<vmem>>) attributes {dimension_semantics = [], scalar_prefetch = 0 : i64, scratch_operands = 0 : i64, tpu.core_type = #tpu.core_type<tc>} {
    %get3A = arith.constant 0 : index
    %get3A_0 = arith.constant 0 : index
    %get3A_1 = vector.load %arg3[%get3A, %get3A_0] : memref<10000x1xf32, #tpu.memory_space<vmem>>, vector<10000x1xf32>
    %get3A_2 = arith.constant 0 : index
    %get3A_3 = arith.constant 0 : index
    %get3A_4 = vector.load %arg0[%get3A_2, %get3A_3] : memref<10112x128xf32, #tpu.memory_space<vmem>>, vector<10000x128xf32>
    %get3A_5 = arith.constant 0 : index
    %get3A_6 = arith.constant 0 : index
    %get3A_7 = vector.load %arg1[%get3A_5, %get3A_6] : memref<10112x128xf32, #tpu.memory_space<vmem>>, vector<10000x128xf32>
    %add3A = arith.addf %get3A_4, %get3A_7 : vector<10000x128xf32>
    %get3A_8 = arith.constant 0 : index
    %get3A_9 = arith.constant 0 : index
    %get3A_10 = vector.load %arg2[%get3A_8, %get3A_9] : memref<10112x128xf32, #tpu.memory_space<vmem>>, vector<10000x128xf32>
    %sub3A = arith.subf %add3A, %get3A_10 : vector<10000x128xf32>
    %mul3A = vector.broadcast %get3A_1 : vector<10000x1xf32> to vector<10000x128xf32>
    %mul3A_11 = arith.mulf %sub3A, %mul3A : vector<10000x128xf32>
    %get3A_12 = arith.constant 0 : index
    %get3A_13 = arith.constant 0 : index
    %get3A_14 = vector.load %arg4[%get3A_12, %get3A_13] : memref<1x128xf32, #tpu.memory_space<vmem>>, vector<1x128xf32>
    %add3A_15 = vector.broadcast %get3A_14 : vector<1x128xf32> to vector<10000x128xf32>
    %add3A_16 = arith.addf %mul3A_11, %add3A_15 : vector<10000x128xf32>
    %reduce_sum3A = arith.constant dense<0.000000e+00> : vector<128xf32>
    %reduce_sum3A_17 = vector.multi_reduction <add>, %add3A_16, %reduce_sum3A [0] : vector<10000x128xf32> to vector<128xf32>
    %broadcast_in_dim3A = vector.shape_cast %reduce_sum3A_17 : vector<128xf32> to vector<1x128xf32>
    %div3A = arith.constant 1.000000e+04 : f32
    %div3A_18 = vector.broadcast %div3A : f32 to vector<1x128xf32>
    %div3A_19 = arith.divf %broadcast_in_dim3A, %div3A_18 : vector<1x128xf32>
    %sub3A_20 = vector.broadcast %div3A_19 : vector<1x128xf32> to vector<10000x128xf32>
    %sub3A_21 = arith.subf %add3A_16, %sub3A_20 : vector<10000x128xf32>
    %integer_pow3A = arith.mulf %sub3A_21, %sub3A_21 : vector<10000x128xf32>
    %reduce_sum3A_22 = arith.constant dense<0.000000e+00> : vector<128xf32>
    %reduce_sum3A_23 = vector.multi_reduction <add>, %integer_pow3A, %reduce_sum3A_22 [0] : vector<10000x128xf32> to vector<128xf32>
    %broadcast_in_dim3A_24 = vector.shape_cast %reduce_sum3A_23 : vector<128xf32> to vector<1x128xf32>
    %div3A_25 = arith.constant 1.000000e+04 : f32
    %div3A_26 = vector.broadcast %div3A_25 : f32 to vector<1x128xf32>
    %div3A_27 = arith.divf %broadcast_in_dim3A_24, %div3A_26 : vector<1x128xf32>
    %sub3A_28 = vector.broadcast %div3A_19 : vector<1x128xf32> to vector<10000x128xf32>
    %sub3A_29 = arith.subf %add3A_16, %sub3A_28 : vector<10000x128xf32>
    %add3A_30 = arith.constant 9.99999974E-6 : f32
    %add3A_31 = vector.broadcast %add3A_30 : f32 to vector<1x128xf32>
    %add3A_32 = arith.addf %div3A_27, %add3A_31 : vector<1x128xf32>
    %rsqrt3A = math.rsqrt %add3A_32 : vector<1x128xf32>
    %mul3A_33 = vector.broadcast %rsqrt3A : vector<1x128xf32> to vector<10000x128xf32>
    %mul3A_34 = arith.mulf %sub3A_29, %mul3A_33 : vector<10000x128xf32>
    %get3A_35 = arith.constant 0 : index
    %get3A_36 = arith.constant 0 : index
    %get3A_37 = vector.load %arg5[%get3A_35, %get3A_36] : memref<1x128xf32, #tpu.memory_space<vmem>>, vector<1x128xf32>
    %mul3A_38 = vector.broadcast %get3A_37 : vector<1x128xf32> to vector<10000x128xf32>
    %mul3A_39 = arith.mulf %mul3A_34, %mul3A_38 : vector<10000x128xf32>
    %get3A_40 = arith.constant 0 : index
    %get3A_41 = arith.constant 0 : index
    %get3A_42 = vector.load %arg6[%get3A_40, %get3A_41] : memref<1x128xf32, #tpu.memory_space<vmem>>, vector<1x128xf32>
    %add3A_43 = vector.broadcast %get3A_42 : vector<1x128xf32> to vector<10000x128xf32>
    %add3A_44 = arith.addf %mul3A_39, %add3A_43 : vector<10000x128xf32>
    %max3A = arith.constant 0.000000e+00 : f32
    %max3A_45 = vector.broadcast %max3A : f32 to vector<10000x128xf32>
    %max3A_46 = arith.maximumf %add3A_44, %max3A_45 : vector<10000x128xf32>
    %mul3A_47 = vector.broadcast %get3A_1 : vector<10000x1xf32> to vector<10000x128xf32>
    %mul3A_48 = arith.mulf %max3A_46, %mul3A_47 : vector<10000x128xf32>
    %swap3A = arith.constant 0 : index
    %swap3A_49 = arith.constant 0 : index
    %swap3A_50 = vector.load %arg7[%swap3A, %swap3A_49] : memref<10112x128xf32, #tpu.memory_space<vmem>>, vector<10000x128xf32>
    tpu.vector_store %arg7[%swap3A, %swap3A_49], %mul3A_48 {strides = array<i32>} : memref<10112x128xf32, #tpu.memory_space<vmem>>, vector<10000x128xf32>,
    return
  }
}

module attributes {stable_mosaic.version = 14 : i64} {
  func.func @_post_body(%arg0: memref<10112x128xf32, #tpu.memory_space<vmem>>, %arg1: memref<10112x128xf32, #tpu.memory_space<vmem>>, %arg2: memref<10112x128xf32, #tpu.memory_space<vmem>>, %arg3: memref<10000x1xf32, #tpu.memory_space<vmem>>, %arg4: memref<128x128xf32, #tpu.memory_space<vmem>>, %arg5: memref<1x128xf32, #tpu.memory_space<vmem>>, %arg6: memref<128x128xf32, #tpu.memory_space<vmem>>, %arg7: memref<1x128xf32, #tpu.memory_space<vmem>>, %arg8: memref<10000x128xf32, #tpu.memory_space<vmem>>, %arg9: memref<10000x128xf32, #tpu.memory_space<vmem>>) attributes {dimension_semantics = [], scalar_prefetch = 0 : i64, scratch_operands = 0 : i64, tpu.core_type = #tpu.core_type<tc>} {
    %get3A = arith.constant 0 : index
    %get3A_0 = arith.constant 0 : index
    %get3A_1 = vector.load %arg3[%get3A, %get3A_0] : memref<10000x1xf32, #tpu.memory_space<vmem>>, vector<10000x1xf32>
    %get3A_2 = arith.constant 0 : index
    %get3A_3 = arith.constant 0 : index
    %get3A_4 = vector.load %arg0[%get3A_2, %get3A_3] : memref<10112x128xf32, #tpu.memory_space<vmem>>, vector<10000x128xf32>
    %get3A_5 = arith.constant 0 : index
    %get3A_6 = arith.constant 0 : index
    %get3A_7 = vector.load %arg1[%get3A_5, %get3A_6] : memref<10112x128xf32, #tpu.memory_space<vmem>>, vector<10000x128xf32>
    %add3A = arith.addf %get3A_4, %get3A_7 : vector<10000x128xf32>
    %get3A_8 = arith.constant 0 : index
    %get3A_9 = arith.constant 0 : index
    %get3A_10 = vector.load %arg2[%get3A_8, %get3A_9] : memref<10112x128xf32, #tpu.memory_space<vmem>>, vector<10000x128xf32>
    %sub3A = arith.subf %add3A, %get3A_10 : vector<10000x128xf32>
    %mul3A = vector.broadcast %get3A_1 : vector<10000x1xf32> to vector<10000x128xf32>
    %mul3A_11 = arith.mulf %sub3A, %mul3A : vector<10000x128xf32>
    %get3A_12 = arith.constant 0 : index
    %get3A_13 = arith.constant 0 : index
    %get3A_14 = vector.load %arg4[%get3A_12, %get3A_13] : memref<128x128xf32, #tpu.memory_space<vmem>>, vector<128x128xf32>
    %dot_general3A = arith.constant dense<0.000000e+00> : vector<10000x128xf32>
    %dot_general3A_15 = tpu.matmul %mul3A_11, %get3A_14, %dot_general3A {dimension_numbers = #tpu.dot_dimension_numbers<[1], [0], [0], [1], [0, 0, 1, 1], [], []>, transpose_lhs_hint = false} : vector<10000x128xf32>, vector<128x128xf32>, vector<10000x128xf32> -> vector<10000x128xf32>
    %get3A_16 = arith.constant 0 : index
    %get3A_17 = arith.constant 0 : index
    %get3A_18 = vector.load %arg5[%get3A_16, %get3A_17] : memref<1x128xf32, #tpu.memory_space<vmem>>, vector<1x128xf32>
    %add3A_19 = vector.broadcast %get3A_18 : vector<1x128xf32> to vector<10000x128xf32>
    %add3A_20 = arith.addf %dot_general3A_15, %add3A_19 : vector<10000x128xf32>
    %swap3A = arith.constant 0 : index
    %swap3A_21 = arith.constant 0 : index
    %swap3A_22 = vector.load %arg8[%swap3A, %swap3A_21] : memref<10000x128xf32, #tpu.memory_space<vmem>>, vector<10000x128xf32>
    tpu.vector_store %arg8[%swap3A, %swap3A_21], %add3A_20 {strides = array<i32>} : memref<10000x128xf32, #tpu.memory_space<vmem>>, vector<10000x128xf32>,
    %get3A_23 = arith.constant 0 : index
    %get3A_24 = arith.constant 0 : index
    %get3A_25 = vector.load %arg6[%get3A_23, %get3A_24] : memref<128x128xf32, #tpu.memory_space<vmem>>, vector<128x128xf32>
    %dot_general3A_26 = arith.constant dense<0.000000e+00> : vector<10000x128xf32>
    %dot_general3A_27 = tpu.matmul %mul3A_11, %get3A_25, %dot_general3A_26 {dimension_numbers = #tpu.dot_dimension_numbers<[1], [0], [0], [1], [0, 0, 1, 1], [], []>, transpose_lhs_hint = false} : vector<10000x128xf32>, vector<128x128xf32>, vector<10000x128xf32> -> vector<10000x128xf32>
    %get3A_28 = arith.constant 0 : index
    %get3A_29 = arith.constant 0 : index
    %get3A_30 = vector.load %arg7[%get3A_28, %get3A_29] : memref<1x128xf32, #tpu.memory_space<vmem>>, vector<1x128xf32>
    %add3A_31 = vector.broadcast %get3A_30 : vector<1x128xf32> to vector<10000x128xf32>
    %add3A_32 = arith.addf %dot_general3A_27, %add3A_31 : vector<10000x128xf32>
    %swap3A_33 = arith.constant 0 : index
    %swap3A_34 = arith.constant 0 : index
    %swap3A_35 = vector.load %arg9[%swap3A_33, %swap3A_34] : memref<10000x128xf32, #tpu.memory_space<vmem>>, vector<10000x128xf32>
    tpu.vector_store %arg9[%swap3A_33, %swap3A_34], %add3A_32 {strides = array<i32>} : memref<10000x128xf32, #tpu.memory_space<vmem>>, vector<10000x128xf32>,
    return
  }
}

</mosaic_0001>

<sc_bundles>
// kernel: kernel.11.cloned.1.call-start
scs
__scs_entry_jumppad:
0x0: {  	(pc) =	sbr.rel $0x88, $3  }
0x1: {  	(tag) =	ssettag $0x0;
	lr =	simm.s32 $0x1  }
0x2: {  	[smem:$0x3F97] =	sst lr;
	_ =	strace $0xD0000000  }
0x3: {  	_ = 	snop  }
0x4: {  	_ = 	snop  }
0x5: {  	_ = 	snop  }
0x6: {  	_ = 	snop  }
0x7: {  	_ = 	snop  }
__scs_overlays_trampoline_lowered:
0x8: {  	[smem:$0x3FA6] =	sst s0  }
0x9: {  	[smem:$0x3FA7] =	sst s1  }
0xa: {  	[smem:$0x3FA8] =	sst s2  }
0xb: {  	[smem:$0x3FA9] =	sst s3  }
0xc: {  	[smem:$0x3FAA] =	sst s4  }
0xd: {  	[smem:$0x3FAB] =	sst s5  }
0xe: {  	[smem:$0x3FAC] =	sst s6  }
0xf: {  	[smem:$0x3FAD] =	sst s7  }
0x10: {  	[smem:$0x3FAE] =	sst s8  }
0x11: {  	[smem:$0x3FAF] =	sst s9;
	s0 =	simm.s32 @!p0 $0x0  }
0x12: {  	s1 =	sld [smem:$0x3F95];
	s0 =	simm.s32 @p0 $0x1  }
0x13: {  	[smem:$0x3FB0] =	sst s0;
	s0 =	simm.s32 @!p1 $0x0  }
0x14: {  	s2 =	sld [smem:$0x3F94];
	s0 =	simm.s32 @p1 $0x1  }
0x15: {  	[smem:$0x3FB1] =	sst s0;
	s0 =	simm.s32 @!p2 $0x0  }
0x16: {  	s3 =	sld [smem:$0x3FDB];
	s0 =	simm.s32 @p2 $0x1  }
0x17: {  	s4 =	simm.s32 $0x1BF5;
	[smem:$0x3FB3] =	sst s0  }
0x18: {  	s0 =	sld [smem:$0x3F96];
	_ =	swait.ge [sflag:s4], $0x0  }
0x19: {  	s7 =	sld [smem:$0x3F97]  }
0x1a: {  	s8 =	sadd.s32 $0xFFFFE003, lr  }
0x1b: {  	s9 =	sadd.s32 $0xFFFFFEF7, lr;
	s5 =	simm.s32 $0xFFFFFFFF;
	p2 =	slt.u32 s8, $0xFFFFF086  }
0x1c: {  	p1 =	slt.u32 s9, $0xF7A;
	s5 =	simm.s32 @!p2 $0x0  }
0x1d: {  	s5 =	simm.s32 @p1 $0x1;
	p0 =	seq.s32 s7, s2  }
0x1e: {  	s7 =	smul.u32 @!p0 $0xF7A, s2;
	p2 =	seq.s32 @!p0 s5, $0x0  }
0x1f: {  	s9 =	smul.u32 $0xF7A, s1;
	s8 =	simm.s32 @!p0 $0x1BF5;
	p2 =	por !p2, p0  }
0x20: {  	[sflag:s8] =	ssyncset.s32 @!p0 $0xFFFFF086;
	s6 =	sadd.s32 @!p0 s3, s7;
	s7 =	simm.s32 @!p0 $0x108  }
0x21: {  	s3 =	sadd.s32 s3, s9;
	s6 =	sadd.s32 @!p0 $0x88, s6;
	s7 =	simm.s32 @p2 $0x1082  }
0x22: {  	[simem:s7], [sflag:s8] =	dma.local @!p0 [hbm:s6], $0xF7A  }
0x23: {  	s9 =	sor.u32 $0xD0000000, s2;
	s6 =	simm.s32 $0x108;
	_ =	swait.ge @!p0 [sflag:s8], $0x0  }
0x24: {  	s3 =	sadd.s32 $0x88, s3;
	s6 =	simm.s32 @!p1 $0x1082;
	[sflag:s4] =	ssyncset.s32 $0xFFFFF086  }
0x25: {  	[simem:s6], [sflag:s4] =	dma.local [hbm:s3], $0xF7A  }
0x26: {  	[smem:$0x3F97] =	sst s1;
	(tag) =	ssettag s2;
	_ =	strace s9  }
0x27: {  	s1 =	sld [smem:$0x3FA7]  }
0x28: {  	s2 =	sld [smem:$0x3FA8]  }
0x29: {  	s4 =	sld [smem:$0x3FAA]  }
0x2a: {  	p0 =	seq.s32 s5, $0x0;
	s5 =	sld [smem:$0x3FAB]  }
0x2b: {  	s6 =	sld [smem:$0x3FAC]  }
0x2c: {  	s7 =	sld [smem:$0x3FAD]  }
0x2d: {  	s3 =	simm.s32 $0x108;
	s8 =	sld [smem:$0x3FAE]  }
0x2e: {  	s3 =	simm.s32 @!p0 $0x1082;
	s9 =	sld [smem:$0x3FAF]  }
0x2f: {  	lr =	sadd.s32 s0, s3;
	s0 =	sld [smem:$0x3FA6]  }
0x30: {  	s3 =	sld [smem:$0x3FA9]  }
0x31: {  	[smem:$0x3FB2] =	sst s10  }
0x32: {  	s10 =	sld [smem:$0x3FB0];
	_ =	sdelay $0x3  }
0x33: {  	p0 =	seq.s32 s10, $0x1;
	s10 =	sld [smem:$0x3FB2];
	_ =	sdelay $0x3  }
0x34: {  	[smem:$0x3FB2] =	sst s10  }
0x35: {  	s10 =	sld [smem:$0x3FB1];
	_ =	sdelay $0x3  }
0x36: {  	p1 =	seq.s32 s10, $0x1;
	s10 =	sld [smem:$0x3FB2];
	_ =	sdelay $0x3  }
0x37: {  	[smem:$0x3FB2] =	sst s10  }
0x38: {  	s10 =	sld [smem:$0x3FB3]  }
0x39: {  	_ = 	snop;
	(pc) =	sbr.ind lr, $3  }
0x3a: {  	_ = 	snop  }
0x3b: {  	_ = 	snop  }
0x3c: {  	p2 =	seq.s32 s10, $0x1;
	s10 =	sld [smem:$0x3FB2]  }
0x3d: {  	_ =	shalt  }
0x3e: {  	_ =	shalt  }
0x3f: {  	_ =	shalt  }
0x40: {  	_ =	shalt  }
0x41: {  	_ =	shalt  }
0x42: {  	_ =	shalt  }
0x43: {  	_ =	shalt  }
0x44: {  	_ =	shalt  }
0x45: {  	_ =	shalt  }
0x46: {  	_ =	shalt  }
0x47: {  	_ =	shalt  }
0x48: {  	_ =	shalt  }
0x49: {  	_ =	shalt  }
0x4a: {  	_ =	shalt  }
0x4b: {  	_ =	shalt  }
0x4c: {  	_ =	shalt  }
0x4d: {  	_ =	shalt  }
0x4e: {  	_ =	shalt  }
0x4f: {  	_ =	shalt  }
0x50: {  	_ =	shalt  }
0x51: {  	_ =	shalt  }
0x52: {  	_ =	shalt  }
0x53: {  	_ =	shalt  }
0x54: {  	_ =	shalt  }
0x55: {  	_ =	shalt  }
0x56: {  	_ =	shalt  }
0x57: {  	_ =	shalt  }
0x58: {  	_ =	shalt  }
0x59: {  	_ =	shalt  }
0x5a: {  	_ =	shalt  }
0x5b: {  	_ =	shalt  }
0x5c: {  	_ =	shalt  }
0x5d: {  	_ =	shalt  }
0x5e: {  	_ =	shalt  }
0x5f: {  	_ =	shalt  }
0x60: {  	_ =	shalt  }
0x61: {  	_ =	shalt  }
0x62: {  	_ =	shalt  }
0x63: {  	_ =	shalt  }
0x64: {  	_ =	shalt  }
0x65: {  	_ =	shalt  }
0x66: {  	_ =	shalt  }
0x67: {  	_ =	shalt  }
0x68: {  	_ =	shalt  }
0x69: {  	_ =	shalt  }
0x6a: {  	_ =	shalt  }
0x6b: {  	_ =	shalt  }
0x6c: {  	_ =	shalt  }
0x6d: {  	_ =	shalt  }
0x6e: {  	_ =	shalt  }
0x6f: {  	_ =	shalt  }
0x70: {  	_ =	shalt  }
0x71: {  	_ =	shalt  }
0x72: {  	_ =	shalt  }
0x73: {  	_ =	shalt  }
0x74: {  	_ =	shalt  }
0x75: {  	_ =	shalt  }
0x76: {  	_ =	shalt  }
0x77: {  	_ =	shalt  }
0x78: {  	_ =	shalt  }
0x79: {  	_ =	shalt  }
0x7a: {  	_ =	shalt  }
0x7b: {  	_ =	shalt  }
0x7c: {  	_ =	shalt  }
0x7d: {  	_ =	shalt  }
0x7e: {  	_ =	shalt  }
0x7f: {  	_ =	shalt  }
0x80: {  	_ =	shalt  }
0x81: {  	_ =	shalt  }
0x82: {  	_ =	shalt  }
0x83: {  	_ =	shalt  }
0x84: {  	_ =	shalt  }
0x85: {  	_ =	shalt  }
0x86: {  	_ =	shalt  }
0x87: {  	_ =	shalt  }
.Lfunc_end0:
.L_simem_size_0:
called_computation.1_lowered:
.L_overlay_start_0:
0x88: {  	s2 =	sld [smem:$0x3FD9]  }
0x89: {  	s3 =	sld [smem:$0x3FFE];
	_ =	sdelay $0x1  }
0x8a: {  	s1 =	srdreg.scid  }
0x8b: {  	s0 =	sand.u32 $0x1, s1  }
0x8c: {  	s14 =	sshll.u32 s0, $0xA;
	s2 =	sadd.s32 s3, s2  }
0x8d: {  	s2 =	sadd.s32 s2, s14  }
0x8e: {  	[smem:$0x3FBE] =	sst s2  }
0x8f: {  	_ = 	snop  }
0x90: {  	s2 =	sld [smem:$0x3FD0];
	_ =	sdelay $0x2  }
0x91: {  	s15 =	simm.s32 $0xA;
	s4 =	simm.s32 $0x10  }
0x92: {  	[smem:s4], [sflag:s15] =	dma.local [hbm:s2], $0x1  }
0x93: {  	_ =	swait.eq [sflag:s15], $0x1  }
0x94: {  	[sflag:s15] =	ssyncset.done $0x0  }
0x95: {  	s16 =	sld [smem:$0x10];
	[sflag:s15] =	ssyncadd.s32 $0xFFFFFFFF  }
0x96: {  	s17 =	sld [smem:$0x11];
	(tm) =	ssettm $0x1  }
0x97: {  	s18 =	sld [smem:$0x3FFB];
	_ =	sdelay $0x3  }
0x98: {  	_ =	strace s18  }
0x99: {  	s4 =	sld [smem:$0x3FFC];
	_ =	sdelay $0x3  }
0x9a: {  	_ =	strace s4  }
0x9b: {  	s4 =	sld [smem:$0x3FFD];
	_ =	sdelay $0x3  }
0x9c: {  	_ =	strace s4  }
0x9d: {  	_ =	strace $0x8FFFFFFF  }
0x9e: {  	s19 =	sld [smem:$0x3FDB];
	_ =	sdelay $0x1  }
0x9f: {  	s5 =	simm.s32 $_scs_section_size  }
0xa0: {  	s6 =	simm.s32 $_size__tile_overlayer_lowered;
	s7 =	simm.s32 $_tile_overlayer_lowered  }
0xa1: {  	s22 =	simm.s32 $0x1BFF;
	s21 =	sshll.u32 s7, $0x1;
	s4 =	sadd.s32 s5, s19  }
0xa2: {  	s8 =	simm.s32 $0x0;
	s20 =	sshll.u32 s6, $0x1;
	s6 =	sadd.s32 s21, s4  }
0xa3: {  	[timem:s8], [sflag:s22] =	dma.local [hbm:s6], s20  }
0xa4: {  	_ =	swait.ge [sflag:s22], s20  }
0xa5: {  	s5 =	ssub.s32 $0x0, s20;
	[sflag:s22] =	ssyncset.done $0x0  }
0xa6: {  	[sflag:s22] =	ssyncadd.s32 s5;
	_ =	sdelay $0x1  }
0xa7: {  	s23 =	simm.s32 $0x1B8B  }
0xa8: {  	_ =	swait.ge [sflag:s23], $0x1  }
0xa9: {  	[sflag:s23] =	ssyncset.done $0x0  }
0xaa: {  	s25 =	simm.s32 $0x1B8E;
	s24 =	sld [smem:$0x3FFE];
	[sflag:s23] =	ssyncadd.s32 $0xFFFFFFFF  }
0xab: {  	s26 =	simm.s32 $execute0_lowered;
	[smem:$0x3FD2] =	sst s25  }
0xac: {  	s6 =	sshll.u32 s26, $0x1;
	_ =	strace $0x80000049;
	[dreg:$0x1] =	wrdreg $0xFFFFFFFF  }
0xad: {  	s28 =	simm.s32 $_size_execute0_lowered;
	s4 =	sadd.s32 s4, s6;
	[dreg:$0x0] =	wrdreg $0x0  }
0xae: {  	s6 =	sshll.u32 s28, $0x1;
	[dreg:$0x2] =	wrdreg s4  }
0xaf: {  	[dreg:$0x3] =	wrdreg s6  }
0xb0: {  	[dreg:$0x4] =	wrdreg $0xC0  }
0xb1: {  	_ =	task [dreg:s8], $0x5FFFF  }
0xb2: {  	[dreg:$0x1] =	wrdreg $0xFFFFFFFF  }
0xb3: {  	[dreg:$0x0] =	wrdreg $0x60  }
0xb4: {  	[dreg:$0x2] =	wrdreg s24  }
0xb5: {  	[dreg:$0x3] =	wrdreg s16  }
0xb6: {  	[dreg:$0x4] =	wrdreg s17  }
0xb7: {  	[dreg:$0x5] =	wrdreg $0xBEC00  }
0xb8: {  	[dreg:$0x6] =	wrdreg $0x9  }
0xb9: {  	_ =	task.clear_ibuf [dreg:s8], $0x7FFFF;
	_ =	strace $0x90000049  }
0xba: {  	s29 =	simm.s32 $0x9;
	_ =	strace $0x8000004B  }
0xbb: {  	_ =	swait.ge [sflag:s29], $0x1  }
0xbc: {  	[sflag:s29] =	ssyncadd.s32 $0xFFFFFFFF  }
0xbd: {  	_ =	strace $0x9000004B  }
0xbe: {  	_ =	sfence  }
0xbf: {  	s30 =	sld [smem:$0x0];
	_ =	sdelay $0x2  }
0xc0: {  	s31 =	sshll.u32 s1, $0xD;
	s1 =	sshrl.u32 s1, $0x2  }
0xc1: {  	s3 =	sand.u32 $0x4000, s31;
	s1 =	sadd.s32 s1, s30  }
0xc2: {  	s0 =	sor.u32 s3, s0;
	s1 =	sshll.u32 s1, $0x11  }
0xc3: {  	s0 =	sor.u32 s1, s0  }
0xc4: {  	s0 =	sadd.s32 $0x8F2B, s0  }
0xc5: {  	[sflag:s0] =	ssyncadd.remote.s32 $0x1  }
0xc6: {  	_ =	sfence.sel $0xFFFF  }
0xc7: {  	[dreg:$0x0] =	wrdreg $0xFFFFFFFF;
	(pc) =	sbr.abs _section_cstart, $3  }
0xc8: {  	[dreg:$0x1] =	wrdreg $0xFFFFFFFF  }
0xc9: {  	_ =	task.clear_ibuf [dreg:s8], $0x2FFFF;
	_ =	strace $0x9FFFFFFF  }
0xca: {  	(tm) =	ssettm $0x7FFFFFFF  }
0xcb: {  	_ =	shalt  }
tec
execute0_lowered:
.L_overlay_start_1:
0x0: {  	(tag) =	ssettag $0x1  }
0x1: {  	s5 =	rddreg [dreg:$0x0]  }
0x2: {  	s6 =	rddreg [dreg:$0x1]  }
0x3: {  	s7 =	rddreg [dreg:$0x2]  }
0x4: {  	s2 =	rddreg [dreg:$0x3];
	s0 =	stileid.u32  }
0x5: {  	s3 =	srdreg.scid;
	s1 =	rddreg [dreg:$0x4];
	s15 =	simm.s32 $0x4EC0  }
0x6: {  	s16 =	simm.s32 $0x86C0;
	s17 =	simm.s32 $0x1;
	s18 =	simm.s32 $0x2  }
0x7: {  	s19 =	simm.s32 $0x4DE0;
	s20 =	simm.s32 $0x4E50;
	s21 =	simm.s32 $0x0  }
0x8: {  	s4 =	smul.u32 $0x5A, s0;
	s8 =	sand.u32 $0x1, s3;
	s3 =	simm.s32 $0x0  }
0x9: {  	s11 =	smul.u32 $0x13C00, s0;
	s12 =	sadd.s32 $0x2B000, s5;
	s13 =	sadd.s32 $0x52800, s5  }
0xa: {  	s31 =	sshll.u32 s0, $0x6;
	p0 =	seq.s32 s8, $0x0;
	[smem:$0x7FF] =	sst s3  }
0xb: {  	s8 =	ssub.s32 $0x2, s8;
	s9 =	sadd.s32 $0x5A0, s4;
	_ =	strace $0x8000004A  }
0xc: {  	s10 =	sshrl.u32 s8, $0x1;
	s30 =	sshrl.u32 s11, $0x3;
	s14 =	sadd.s32 s11, s2  }
0xd: {  	s13 =	smov.u32 @p0 s12;
	s11 =	simm.s32 $0x2760;
	s9 =	smov.u32 @p0 s4  }
0xe: {  	s12 =	sor.u32 $0x1C03, s31;
	s8 =	ssub.s32 s8, s10;
	s9 =	smul.u32 $0xE, s9  }
0xf: {  	s4 =	sadd.s32 $0x3800, s5;
	s10 =	simm.s32 $0x3;
	s8 =	smax.u32 s8, $0x1  }
0x10: {  	s5 =	sadd.s32 s6, s9;
	s6 =	sadd.s32 s7, s9;
	s7 =	sadd.s32 s4, s30  }
0x11: {  	s9 =	sadd.s32 s13, s30;
	s13 =	sshrl.u32 s14, $0x3;
	s14 =	simm.s32 $0x70  }
.LBB2_1:
0x12: {  	[tilespmem:s3], [sflag:$0x3] =	stream.linear.gather [hbm4b:s5+s3], $0x2760, $0x38;
	[tilespmem:$0x1FAC0] =	vst v63  }
0x13: {  	_ =	swait.ge [sflag:s10], $0x2760  }
0x14: {  	[sflag:s10] =	ssyncset.done $0x0  }
0x15: {  	[sflag:s10] =	ssyncadd.s32 $0xFFFFD8A0  }
0x16: {  	[tilespmem:s11], [sflag:$0x3] =	stream.linear.gather [hbm4b:s6+s3], $0x2760, $0x38;
	[tilespmem:$0x1FAC0] =	vst v63  }
0x17: {  	_ =	swait.ge [sflag:s10], $0x2760  }
0x18: {  	[sflag:s10] =	ssyncset.done $0x0  }
0x19: {  	[sflag:s10] =	ssyncadd.s32 $0xFFFFD8A0  }
0x1a: {  	[spmem:s13], [sflag:s12] =	dma.local [hbm:s7], $0x2780  }
0x1b: {  	_ =	swait.ge [sflag:s10], $0x2780  }
0x1c: {  	[sflag:s10] =	ssyncset.done $0x0  }
0x1d: {  	[sflag:s10] =	ssyncadd.s32 $0xFFFFD880  }
0x1e: {  	[bflag:$0x0] =	sbarrier.arrive $0xFFFF  }
0x1f: {  	[tilespmem:s15], [sflag:$0x1] =	stream.indirect.gather [hbm4b:s4+s14], $0x80, s3, s14, $0xb8;
	[tilespmem:$0x1FAC0] =	vst v63  }
0x20: {  	_ = 	snop  }
0x21: {  	[tilespmem:s16], [sflag:$0x2] =	stream.indirect.gather [hbm4b:s4+s14], $0x80, s14, s14, $0xb8;
	[tilespmem:$0x1FAC0] =	vst v63  }
0x22: {  	_ =	swait.ge [sflag:s17], $0x3800  }
0x23: {  	[sflag:s17] =	ssyncset.done $0x0  }
0x24: {  	s22 =	simm.s32 $0x2760;
	[sflag:s17] =	ssyncadd.s32 $0xFFFFC800  }
0x25: {  	[spmem:s2] =	stream.indirect.scatter.add.f32 [tilespmem:s15], [sflag:$0x3], $0x80, s22, s14, $0xb8;
	[tilespmem:$0x1FAC0] =	vst v63  }
0x26: {  	_ =	swait.ge [sflag:s10], $0x3800  }
0x27: {  	[sflag:s10] =	ssyncset.done $0x0  }
0x28: {  	s30 =	simm.s32 $0xE0;
	[sflag:s10] =	ssyncadd.s32 $0xFFFFC800  }
0x29: {  	[tilespmem:s15], [sflag:$0x1] =	stream.indirect.gather [hbm4b:s4+s14], $0x80, s30, s14, $0xb8;
	[tilespmem:$0x1FAC0] =	vst v63  }
0x2a: {  	_ =	swait.ge [sflag:s18], $0x3800  }
0x2b: {  	[sflag:s18] =	ssyncset.done $0x0  }
0x2c: {  	s31 =	simm.s32 $0x27D0;
	[sflag:s18] =	ssyncadd.s32 $0xFFFFC800  }
0x2d: {  	[spmem:s2] =	stream.indirect.scatter.add.f32 [tilespmem:s16], [sflag:$0x3], $0x80, s31, s14, $0xb8;
	[tilespmem:$0x1FAC0] =	vst v63  }
0x2e: {  	_ =	swait.ge [sflag:s10], $0x3800  }
0x2f: {  	[sflag:s10] =	ssyncset.done $0x0  }
0x30: {  	s23 =	simm.s32 $0x150;
	s22 =	simm.s32 $0x380;
	[sflag:s10] =	ssyncadd.s32 $0xFFFFC800  }
.LBB2_2:
0x31: {  	[tilespmem:s16], [sflag:$0x2] =	stream.indirect.gather [hbm4b:s4+s14], $0x80, s23, s14, $0xb8;
	[tilespmem:$0x1FAC0] =	vst v63  }
0x32: {  	s23 =	smov.u32 s22  }
0x33: {  	p0 =	sne.s32 s22, $0x9680;
	s22 =	sadd.s32 $0x380, s22;
	_ =	swait.ge [sflag:s17], $0x3800  }
0x34: {  	s23 =	sshra.s32 s23, $0x2;
	[sflag:s17] =	ssyncset.done $0x0  }
0x35: {  	s24 =	sadd.s32 $0x2760, s23;
	[sflag:s17] =	ssyncadd.s32 $0xFFFFC800  }
0x36: {  	[spmem:s2] =	stream.indirect.scatter.add.f32 [tilespmem:s15], [sflag:$0x3], $0x80, s24, s14, $0xb8;
	[tilespmem:$0x1FAC0] =	vst v63  }
0x37: {  	_ =	swait.ge [sflag:s10], $0x3800  }
0x38: {  	[sflag:s10] =	ssyncset.done $0x0  }
0x39: {  	s24 =	sadd.s32 $0xE0, s23;
	[sflag:s10] =	ssyncadd.s32 $0xFFFFC800  }
0x3a: {  	[tilespmem:s15], [sflag:$0x1] =	stream.indirect.gather [hbm4b:s4+s14], $0x80, s24, s14, $0xb8;
	[tilespmem:$0x1FAC0] =	vst v63  }
0x3b: {  	_ =	swait.ge [sflag:s18], $0x3800  }
0x3c: {  	[sflag:s18] =	ssyncset.done $0x0  }
.Ltmp0:
0x3d: {  	s24 =	sadd.s32 $0x27D0, s23;
	[sflag:s18] =	ssyncadd.s32 $0xFFFFC800;
	(pc) =	sbr.rel @p0 .LBB2_2-.Ltmp0, $4  }
0x3e: {  	[spmem:s2] =	stream.indirect.scatter.add.f32 [tilespmem:s16], [sflag:$0x3], $0x80, s24, s14, $0xb8;
	[tilespmem:$0x1FAC0] =	vst v63  }
0x3f: {  	_ =	swait.ge [sflag:s10], $0x3800  }
0x40: {  	[sflag:s10] =	ssyncset.done $0x0  }
0x41: {  	s23 =	sadd.s32 $0x150, s23;
	[sflag:s10] =	ssyncadd.s32 $0xFFFFC800  }
0x42: {  	[tilespmem:s16], [sflag:$0x2] =	stream.indirect.gather [hbm4b:s4+s14], $0x80, s23, s14, $0xb8;
	[tilespmem:$0x1FAC0] =	vst v63  }
0x43: {  	_ =	swait.ge [sflag:s17], $0x3800  }
0x44: {  	[sflag:s17] =	ssyncset.done $0x0  }
0x45: {  	[sflag:s17] =	ssyncadd.s32 $0xFFFFC800  }
0x46: {  	[spmem:s2] =	stream.indirect.scatter.add.f32 [tilespmem:s15], [sflag:$0x3], $0x80, s19, s14, $0xb8;
	[tilespmem:$0x1FAC0] =	vst v63  }
0x47: {  	_ =	swait.ge [sflag:s10], $0x3800  }
0x48: {  	[sflag:s10] =	ssyncset.done $0x0  }
0x49: {  	[sflag:s10] =	ssyncadd.s32 $0xFFFFC800  }
0x4a: {  	[tilespmem:s15], [sflag:$0x1] =	stream.indirect.gather [hbm4b:s4+s14], $0x80, s3, s14, $0xb8;
	[tilespmem:$0x1FAC0] =	vst v63  }
0x4b: {  	_ =	swait.ge [sflag:s18], $0x3800  }
0x4c: {  	[sflag:s18] =	ssyncset.done $0x0  }
0x4d: {  	[sflag:s18] =	ssyncadd.s32 $0xFFFFC800  }
0x4e: {  	[spmem:s2] =	stream.indirect.scatter.add.f32 [tilespmem:s16], [sflag:$0x3], $0x80, s20, s14, $0xb8;
	[tilespmem:$0x1FAC0] =	vst v63  }
0x4f: {  	_ =	swait.ge [sflag:s10], $0x3800  }
0x50: {  	[sflag:s10] =	ssyncset.done $0x0  }
0x51: {  	[sflag:s10] =	ssyncadd.s32 $0xFFFFC800  }
0x52: {  	[tilespmem:s16], [sflag:$0x2] =	stream.indirect.gather [hbm4b:s4+s14], $0x80, s14, s14, $0xb8;
	[tilespmem:$0x1FAC0] =	vst v63  }
0x53: {  	_ =	swait.ge [sflag:s17], $0x3800  }
0x54: {  	[sflag:s17] =	ssyncset.done $0x0  }
0x55: {  	[sflag:s17] =	ssyncadd.s32 $0xFFFFC800  }
0x56: {  	_ =	swait.ge [sflag:s18], $0x3800  }
0x57: {  	s21 =	sadd.s32 $0x1, s21;
	[sflag:s18] =	ssyncset.done $0x0  }
0x58: {  	p0 =	sne.s32 s21, s8;
	[sflag:s18] =	ssyncadd.s32 $0xFFFFC800  }
.Ltmp1:
0x59: {  	[bflag:$0x0] =	sbarrier.arrive $0xFFFF;
	(pc) =	sbr.rel @p0 .LBB2_1-.Ltmp1, $4  }
0x5a: {  	[hbm:s9], [sflag:s12] =	dma.local [spmem:s13], $0x2780  }
0x5b: {  	_ =	swait.ge [sflag:s10], $0x2780  }
0x5c: {  	[sflag:s10] =	ssyncset.done $0x0  }
0x5d: {  	[sflag:s10] =	ssyncadd.s32 $0xFFFFD880  }
0x5e: {  	_ =	sfence.sel $0x180000  }
0x5f: {  	[bflag:$0x0] =	sbarrier.arrive $0xFFFF  }
0x60: {  	p0 =	sne.s32 s0, $0x0;
	_ =	strace $0x9000004A  }
0x61: {  	s0 =	sadd.s32 @!p0 $0x100000, s1;
	[bflag:$0x2] =	sbarrier.arrive $0xFFFF  }
0x62: {  	[sflag:s0] =	ssyncadd.tile.s32 @!p0 $0x1;
	_ =	shalt  }
.Lfunc_end2:
_tile_overlayer_lowered:
.L_overlay_start_2:
0x63: {  	(tag) =	ssettag $0x2  }
0x64: {  	s0 =	rddreg [dreg:$0x0];
	s2 =	stileid.u32  }
0x65: {  	s1 =	rddreg [dreg:$0x1];
	p0 =	sne.s32 s2, $0x0  }
0x66: {  	s3 =	rddreg [dreg:$0x2];
	[bflag:$0x3] =	sbarrier.arrive $0xFFFF;
	s2 =	simm.s32 @!p0 $0x1C03  }
0x67: {  	[timem:s3], [sflag:s2] =	dma.local @!p0 [hbm:s0], s1  }
0x68: {  	s0 =	simm.s32 @!p0 $0x3  }
0x69: {  	_ =	swait.ge @!p0 [sflag:s0], s1  }
0x6a: {  	s1 =	ssub.s32 @!p0 $0x0, s1;
	[sflag:s0] =	ssyncset.done @!p0 $0x0  }
0x6b: {  	[sflag:s0] =	ssyncadd.s32 @!p0 s1  }
0x6c: {  	[bflag:$0x3] =	sbarrier.arrive $0xFFFF  }
0x6d: {  	_ =	shalt  }

// kernel: kernel.14.cloned.1.call-start
scs
__scs_entry_jumppad:
0x0: {  	(pc) =	sbr.rel $0x88, $3  }
0x1: {  	(tag) =	ssettag $0x0;
	lr =	simm.s32 $0x1  }
0x2: {  	[smem:$0x3F97] =	sst lr;
	_ =	strace $0xD0000000  }
0x3: {  	_ = 	snop  }
0x4: {  	_ = 	snop  }
0x5: {  	_ = 	snop  }
0x6: {  	_ = 	snop  }
0x7: {  	_ = 	snop  }
__scs_overlays_trampoline_lowered:
0x8: {  	[smem:$0x3FA6] =	sst s0  }
0x9: {  	[smem:$0x3FA7] =	sst s1  }
0xa: {  	[smem:$0x3FA8] =	sst s2  }
0xb: {  	[smem:$0x3FA9] =	sst s3  }
0xc: {  	[smem:$0x3FAA] =	sst s4  }
0xd: {  	[smem:$0x3FAB] =	sst s5  }
0xe: {  	[smem:$0x3FAC] =	sst s6  }
0xf: {  	[smem:$0x3FAD] =	sst s7  }
0x10: {  	[smem:$0x3FAE] =	sst s8  }
0x11: {  	[smem:$0x3FAF] =	sst s9;
	s0 =	simm.s32 @!p0 $0x0  }
0x12: {  	s1 =	sld [smem:$0x3F95];
	s0 =	simm.s32 @p0 $0x1  }
0x13: {  	[smem:$0x3FB0] =	sst s0;
	s0 =	simm.s32 @!p1 $0x0  }
0x14: {  	s2 =	sld [smem:$0x3F94];
	s0 =	simm.s32 @p1 $0x1  }
0x15: {  	[smem:$0x3FB1] =	sst s0;
	s0 =	simm.s32 @!p2 $0x0  }
0x16: {  	s3 =	sld [smem:$0x3FDB];
	s0 =	simm.s32 @p2 $0x1  }
0x17: {  	s4 =	simm.s32 $0x1BF5;
	[smem:$0x3FB3] =	sst s0  }
0x18: {  	s0 =	sld [smem:$0x3F96];
	_ =	swait.ge [sflag:s4], $0x0  }
0x19: {  	s7 =	sld [smem:$0x3F97]  }
0x1a: {  	s8 =	sadd.s32 $0xFFFFE003, lr  }
0x1b: {  	s9 =	sadd.s32 $0xFFFFFEF7, lr;
	s5 =	simm.s32 $0xFFFFFFFF;
	p2 =	slt.u32 s8, $0xFFFFF086  }
0x1c: {  	p1 =	slt.u32 s9, $0xF7A;
	s5 =	simm.s32 @!p2 $0x0  }
0x1d: {  	s5 =	simm.s32 @p1 $0x1;
	p0 =	seq.s32 s7, s2  }
0x1e: {  	s7 =	smul.u32 @!p0 $0xF7A, s2;
	p2 =	seq.s32 @!p0 s5, $0x0  }
0x1f: {  	s9 =	smul.u32 $0xF7A, s1;
	s8 =	simm.s32 @!p0 $0x1BF5;
	p2 =	por !p2, p0  }
0x20: {  	[sflag:s8] =	ssyncset.s32 @!p0 $0xFFFFF086;
	s6 =	sadd.s32 @!p0 s3, s7;
	s7 =	simm.s32 @!p0 $0x108  }
0x21: {  	s3 =	sadd.s32 s3, s9;
	s6 =	sadd.s32 @!p0 $0x88, s6;
	s7 =	simm.s32 @p2 $0x1082  }
0x22: {  	[simem:s7], [sflag:s8] =	dma.local @!p0 [hbm:s6], $0xF7A  }
0x23: {  	s9 =	sor.u32 $0xD0000000, s2;
	s6 =	simm.s32 $0x108;
	_ =	swait.ge @!p0 [sflag:s8], $0x0  }
0x24: {  	s3 =	sadd.s32 $0x88, s3;
	s6 =	simm.s32 @!p1 $0x1082;
	[sflag:s4] =	ssyncset.s32 $0xFFFFF086  }
0x25: {  	[simem:s6], [sflag:s4] =	dma.local [hbm:s3], $0xF7A  }
0x26: {  	[smem:$0x3F97] =	sst s1;
	(tag) =	ssettag s2;
	_ =	strace s9  }
0x27: {  	s1 =	sld [smem:$0x3FA7]  }
0x28: {  	s2 =	sld [smem:$0x3FA8]  }
0x29: {  	s4 =	sld [smem:$0x3FAA]  }
0x2a: {  	p0 =	seq.s32 s5, $0x0;
	s5 =	sld [smem:$0x3FAB]  }
0x2b: {  	s6 =	sld [smem:$0x3FAC]  }
0x2c: {  	s7 =	sld [smem:$0x3FAD]  }
0x2d: {  	s3 =	simm.s32 $0x108;
	s8 =	sld [smem:$0x3FAE]  }
0x2e: {  	s3 =	simm.s32 @!p0 $0x1082;
	s9 =	sld [smem:$0x3FAF]  }
0x2f: {  	lr =	sadd.s32 s0, s3;
	s0 =	sld [smem:$0x3FA6]  }
0x30: {  	s3 =	sld [smem:$0x3FA9]  }
0x31: {  	[smem:$0x3FB2] =	sst s10  }
0x32: {  	s10 =	sld [smem:$0x3FB0];
	_ =	sdelay $0x3  }
0x33: {  	p0 =	seq.s32 s10, $0x1;
	s10 =	sld [smem:$0x3FB2];
	_ =	sdelay $0x3  }
0x34: {  	[smem:$0x3FB2] =	sst s10  }
0x35: {  	s10 =	sld [smem:$0x3FB1];
	_ =	sdelay $0x3  }
0x36: {  	p1 =	seq.s32 s10, $0x1;
	s10 =	sld [smem:$0x3FB2];
	_ =	sdelay $0x3  }
0x37: {  	[smem:$0x3FB2] =	sst s10  }
0x38: {  	s10 =	sld [smem:$0x3FB3]  }
0x39: {  	_ = 	snop;
	(pc) =	sbr.ind lr, $3  }
0x3a: {  	_ = 	snop  }
0x3b: {  	_ = 	snop  }
0x3c: {  	p2 =	seq.s32 s10, $0x1;
	s10 =	sld [smem:$0x3FB2]  }
0x3d: {  	_ =	shalt  }
0x3e: {  	_ =	shalt  }
0x3f: {  	_ =	shalt  }
0x40: {  	_ =	shalt  }
0x41: {  	_ =	shalt  }
0x42: {  	_ =	shalt  }
0x43: {  	_ =	shalt  }
0x44: {  	_ =	shalt  }
0x45: {  	_ =	shalt  }
0x46: {  	_ =	shalt  }
0x47: {  	_ =	shalt  }
0x48: {  	_ =	shalt  }
0x49: {  	_ =	shalt  }
0x4a: {  	_ =	shalt  }
0x4b: {  	_ =	shalt  }
0x4c: {  	_ =	shalt  }
0x4d: {  	_ =	shalt  }
0x4e: {  	_ =	shalt  }
0x4f: {  	_ =	shalt  }
0x50: {  	_ =	shalt  }
0x51: {  	_ =	shalt  }
0x52: {  	_ =	shalt  }
0x53: {  	_ =	shalt  }
0x54: {  	_ =	shalt  }
0x55: {  	_ =	shalt  }
0x56: {  	_ =	shalt  }
0x57: {  	_ =	shalt  }
0x58: {  	_ =	shalt  }
0x59: {  	_ =	shalt  }
0x5a: {  	_ =	shalt  }
0x5b: {  	_ =	shalt  }
0x5c: {  	_ =	shalt  }
0x5d: {  	_ =	shalt  }
0x5e: {  	_ =	shalt  }
0x5f: {  	_ =	shalt  }
0x60: {  	_ =	shalt  }
0x61: {  	_ =	shalt  }
0x62: {  	_ =	shalt  }
0x63: {  	_ =	shalt  }
0x64: {  	_ =	shalt  }
0x65: {  	_ =	shalt  }
0x66: {  	_ =	shalt  }
0x67: {  	_ =	shalt  }
0x68: {  	_ =	shalt  }
0x69: {  	_ =	shalt  }
0x6a: {  	_ =	shalt  }
0x6b: {  	_ =	shalt  }
0x6c: {  	_ =	shalt  }
0x6d: {  	_ =	shalt  }
0x6e: {  	_ =	shalt  }
0x6f: {  	_ =	shalt  }
0x70: {  	_ =	shalt  }
0x71: {  	_ =	shalt  }
0x72: {  	_ =	shalt  }
0x73: {  	_ =	shalt  }
0x74: {  	_ =	shalt  }
0x75: {  	_ =	shalt  }
0x76: {  	_ =	shalt  }
0x77: {  	_ =	shalt  }
0x78: {  	_ =	shalt  }
0x79: {  	_ =	shalt  }
0x7a: {  	_ =	shalt  }
0x7b: {  	_ =	shalt  }
0x7c: {  	_ =	shalt  }
0x7d: {  	_ =	shalt  }
0x7e: {  	_ =	shalt  }
0x7f: {  	_ =	shalt  }
0x80: {  	_ =	shalt  }
0x81: {  	_ =	shalt  }
0x82: {  	_ =	shalt  }
0x83: {  	_ =	shalt  }
0x84: {  	_ =	shalt  }
0x85: {  	_ =	shalt  }
0x86: {  	_ =	shalt  }
0x87: {  	_ =	shalt  }
.Lfunc_end0:
.L_simem_size_0:
called_computation.2_lowered:
.L_overlay_start_0:
0x88: {  	s2 =	sld [smem:$0x3FD9]  }
0x89: {  	s3 =	sld [smem:$0x3FFE];
	_ =	sdelay $0x1  }
0x8a: {  	s1 =	srdreg.scid  }
0x8b: {  	s0 =	sand.u32 $0x1, s1  }
0x8c: {  	s14 =	sshll.u32 s0, $0xA;
	s2 =	sadd.s32 s3, s2  }
0x8d: {  	s2 =	sadd.s32 s2, s14  }
0x8e: {  	[smem:$0x3FBE] =	sst s2  }
0x8f: {  	_ = 	snop  }
0x90: {  	s2 =	sld [smem:$0x3FD0];
	_ =	sdelay $0x2  }
0x91: {  	s15 =	simm.s32 $0xA;
	s4 =	simm.s32 $0x10  }
0x92: {  	[smem:s4], [sflag:s15] =	dma.local [hbm:s2], $0x1  }
0x93: {  	_ =	swait.eq [sflag:s15], $0x1  }
0x94: {  	[sflag:s15] =	ssyncset.done $0x0  }
0x95: {  	s16 =	sld [smem:$0x10];
	[sflag:s15] =	ssyncadd.s32 $0xFFFFFFFF  }
0x96: {  	s17 =	sld [smem:$0x11];
	(tm) =	ssettm $0x1  }
0x97: {  	s18 =	sld [smem:$0x3FFB];
	_ =	sdelay $0x3  }
0x98: {  	_ =	strace s18  }
0x99: {  	s4 =	sld [smem:$0x3FFC];
	_ =	sdelay $0x3  }
0x9a: {  	_ =	strace s4  }
0x9b: {  	s4 =	sld [smem:$0x3FFD];
	_ =	sdelay $0x3  }
0x9c: {  	_ =	strace s4  }
0x9d: {  	_ =	strace $0x8FFFFFFF  }
0x9e: {  	s19 =	sld [smem:$0x3FDB];
	_ =	sdelay $0x1  }
0x9f: {  	s5 =	simm.s32 $_scs_section_size  }
0xa0: {  	s6 =	simm.s32 $_size__tile_overlayer_lowered;
	s7 =	simm.s32 $_tile_overlayer_lowered  }
0xa1: {  	s22 =	simm.s32 $0x1BFF;
	s21 =	sshll.u32 s7, $0x1;
	s4 =	sadd.s32 s5, s19  }
0xa2: {  	s8 =	simm.s32 $0x0;
	s20 =	sshll.u32 s6, $0x1;
	s6 =	sadd.s32 s21, s4  }
0xa3: {  	[timem:s8], [sflag:s22] =	dma.local [hbm:s6], s20  }
0xa4: {  	_ =	swait.ge [sflag:s22], s20  }
0xa5: {  	s5 =	ssub.s32 $0x0, s20;
	[sflag:s22] =	ssyncset.done $0x0  }
0xa6: {  	[sflag:s22] =	ssyncadd.s32 s5;
	_ =	sdelay $0x1  }
0xa7: {  	s23 =	simm.s32 $0x1B8B  }
0xa8: {  	_ =	swait.ge [sflag:s23], $0x1  }
0xa9: {  	[sflag:s23] =	ssyncset.done $0x0  }
0xaa: {  	s25 =	simm.s32 $0x1B8E;
	s24 =	sld [smem:$0x3FFE];
	[sflag:s23] =	ssyncadd.s32 $0xFFFFFFFF  }
0xab: {  	s26 =	simm.s32 $execute0_lowered;
	[smem:$0x3FD2] =	sst s25  }
0xac: {  	s6 =	sshll.u32 s26, $0x1;
	_ =	strace $0x8000004C;
	[dreg:$0x1] =	wrdreg $0xFFFFFFFF  }
0xad: {  	s28 =	simm.s32 $_size_execute0_lowered;
	s4 =	sadd.s32 s4, s6;
	[dreg:$0x0] =	wrdreg $0x0  }
0xae: {  	s6 =	sshll.u32 s28, $0x1;
	[dreg:$0x2] =	wrdreg s4  }
0xaf: {  	[dreg:$0x3] =	wrdreg s6  }
0xb0: {  	[dreg:$0x4] =	wrdreg $0xC0  }
0xb1: {  	_ =	task [dreg:s8], $0x5FFFF  }
0xb2: {  	[dreg:$0x1] =	wrdreg $0xFFFFFFFF  }
0xb3: {  	[dreg:$0x0] =	wrdreg $0x60  }
0xb4: {  	[dreg:$0x2] =	wrdreg s24  }
0xb5: {  	[dreg:$0x3] =	wrdreg s16  }
0xb6: {  	[dreg:$0x4] =	wrdreg s17  }
0xb7: {  	[dreg:$0x5] =	wrdreg $0xBEC00  }
0xb8: {  	[dreg:$0x6] =	wrdreg $0x9  }
0xb9: {  	_ =	task.clear_ibuf [dreg:s8], $0x7FFFF;
	_ =	strace $0x9000004C  }
0xba: {  	s29 =	simm.s32 $0x9;
	_ =	strace $0x8000004E  }
0xbb: {  	_ =	swait.ge [sflag:s29], $0x1  }
0xbc: {  	[sflag:s29] =	ssyncadd.s32 $0xFFFFFFFF  }
0xbd: {  	_ =	strace $0x9000004E  }
0xbe: {  	_ =	sfence  }
0xbf: {  	s30 =	sld [smem:$0x0];
	_ =	sdelay $0x2  }
0xc0: {  	s31 =	sshll.u32 s1, $0xD;
	s1 =	sshrl.u32 s1, $0x2  }
0xc1: {  	s3 =	sand.u32 $0x4000, s31;
	s1 =	sadd.s32 s1, s30  }
0xc2: {  	s0 =	sor.u32 s3, s0;
	s1 =	sshll.u32 s1, $0x11  }
0xc3: {  	s0 =	sor.u32 s1, s0  }
0xc4: {  	s0 =	sadd.s32 $0x8F2B, s0  }
0xc5: {  	[sflag:s0] =	ssyncadd.remote.s32 $0x1  }
0xc6: {  	_ =	sfence.sel $0xFFFF  }
0xc7: {  	[dreg:$0x0] =	wrdreg $0xFFFFFFFF;
	(pc) =	sbr.abs _section_cstart, $3  }
0xc8: {  	[dreg:$0x1] =	wrdreg $0xFFFFFFFF  }
0xc9: {  	_ =	task.clear_ibuf [dreg:s8], $0x2FFFF;
	_ =	strace $0x9FFFFFFF  }
0xca: {  	(tm) =	ssettm $0x7FFFFFFF  }
0xcb: {  	_ =	shalt  }
tec
execute0_lowered:
.L_overlay_start_1:
0x0: {  	(tag) =	ssettag $0x1  }
0x1: {  	s5 =	rddreg [dreg:$0x0]  }
0x2: {  	s6 =	rddreg [dreg:$0x1]  }
0x3: {  	s7 =	rddreg [dreg:$0x2]  }
0x4: {  	s2 =	rddreg [dreg:$0x3];
	s0 =	stileid.u32  }
0x5: {  	s3 =	srdreg.scid;
	s1 =	rddreg [dreg:$0x4];
	s15 =	simm.s32 $0x4EC0  }
0x6: {  	s16 =	simm.s32 $0x86C0;
	s17 =	simm.s32 $0x1;
	s18 =	simm.s32 $0x2  }
0x7: {  	s19 =	simm.s32 $0x4DE0;
	s20 =	simm.s32 $0x4E50;
	s21 =	simm.s32 $0x0  }
0x8: {  	s4 =	smul.u32 $0x5A, s0;
	s8 =	sand.u32 $0x1, s3;
	s3 =	simm.s32 $0x0  }
0x9: {  	s11 =	smul.u32 $0x13C00, s0;
	s12 =	sadd.s32 $0x2B000, s5;
	s13 =	sadd.s32 $0x52800, s5  }
0xa: {  	s31 =	sshll.u32 s0, $0x6;
	p0 =	seq.s32 s8, $0x0;
	[smem:$0x7FF] =	sst s3  }
0xb: {  	s8 =	ssub.s32 $0x2, s8;
	s9 =	sadd.s32 $0x5A0, s4;
	_ =	strace $0x8000004D  }
0xc: {  	s10 =	sshrl.u32 s8, $0x1;
	s30 =	sshrl.u32 s11, $0x3;
	s14 =	sadd.s32 s11, s2  }
0xd: {  	s13 =	smov.u32 @p0 s12;
	s11 =	simm.s32 $0x2760;
	s9 =	smov.u32 @p0 s4  }
0xe: {  	s12 =	sor.u32 $0x1C03, s31;
	s8 =	ssub.s32 s8, s10;
	s9 =	smul.u32 $0xE, s9  }
0xf: {  	s4 =	sadd.s32 $0x3800, s5;
	s10 =	simm.s32 $0x3;
	s8 =	smax.u32 s8, $0x1  }
0x10: {  	s5 =	sadd.s32 s6, s9;
	s6 =	sadd.s32 s7, s9;
	s7 =	sadd.s32 s4, s30  }
0x11: {  	s9 =	sadd.s32 s13, s30;
	s13 =	sshrl.u32 s14, $0x3;
	s14 =	simm.s32 $0x70  }
.LBB2_1:
0x12: {  	[tilespmem:s3], [sflag:$0x3] =	stream.linear.gather [hbm4b:s5+s3], $0x2760, $0x38;
	[tilespmem:$0x1FAC0] =	vst v63  }
0x13: {  	_ =	swait.ge [sflag:s10], $0x2760  }
0x14: {  	[sflag:s10] =	ssyncset.done $0x0  }
0x15: {  	[sflag:s10] =	ssyncadd.s32 $0xFFFFD8A0  }
0x16: {  	[tilespmem:s11], [sflag:$0x3] =	stream.linear.gather [hbm4b:s6+s3], $0x2760, $0x38;
	[tilespmem:$0x1FAC0] =	vst v63  }
0x17: {  	_ =	swait.ge [sflag:s10], $0x2760  }
0x18: {  	[sflag:s10] =	ssyncset.done $0x0  }
0x19: {  	[sflag:s10] =	ssyncadd.s32 $0xFFFFD8A0  }
0x1a: {  	[spmem:s13], [sflag:s12] =	dma.local [hbm:s7], $0x2780  }
0x1b: {  	_ =	swait.ge [sflag:s10], $0x2780  }
0x1c: {  	[sflag:s10] =	ssyncset.done $0x0  }
0x1d: {  	[sflag:s10] =	ssyncadd.s32 $0xFFFFD880  }
0x1e: {  	[bflag:$0x0] =	sbarrier.arrive $0xFFFF  }
0x1f: {  	[tilespmem:s15], [sflag:$0x1] =	stream.indirect.gather [hbm4b:s4+s14], $0x80, s3, s14, $0xb8;
	[tilespmem:$0x1FAC0] =	vst v63  }
0x20: {  	_ = 	snop  }
0x21: {  	[tilespmem:s16], [sflag:$0x2] =	stream.indirect.gather [hbm4b:s4+s14], $0x80, s14, s14, $0xb8;
	[tilespmem:$0x1FAC0] =	vst v63  }
0x22: {  	_ =	swait.ge [sflag:s17], $0x3800  }
0x23: {  	[sflag:s17] =	ssyncset.done $0x0  }
0x24: {  	s22 =	simm.s32 $0x2760;
	[sflag:s17] =	ssyncadd.s32 $0xFFFFC800  }
0x25: {  	[spmem:s2] =	stream.indirect.scatter.add.f32 [tilespmem:s15], [sflag:$0x3], $0x80, s22, s14, $0xb8;
	[tilespmem:$0x1FAC0] =	vst v63  }
0x26: {  	_ =	swait.ge [sflag:s10], $0x3800  }
0x27: {  	[sflag:s10] =	ssyncset.done $0x0  }
0x28: {  	s30 =	simm.s32 $0xE0;
	[sflag:s10] =	ssyncadd.s32 $0xFFFFC800  }
0x29: {  	[tilespmem:s15], [sflag:$0x1] =	stream.indirect.gather [hbm4b:s4+s14], $0x80, s30, s14, $0xb8;
	[tilespmem:$0x1FAC0] =	vst v63  }
0x2a: {  	_ =	swait.ge [sflag:s18], $0x3800  }
0x2b: {  	[sflag:s18] =	ssyncset.done $0x0  }
0x2c: {  	s31 =	simm.s32 $0x27D0;
	[sflag:s18] =	ssyncadd.s32 $0xFFFFC800  }
0x2d: {  	[spmem:s2] =	stream.indirect.scatter.add.f32 [tilespmem:s16], [sflag:$0x3], $0x80, s31, s14, $0xb8;
	[tilespmem:$0x1FAC0] =	vst v63  }
0x2e: {  	_ =	swait.ge [sflag:s10], $0x3800  }
0x2f: {  	[sflag:s10] =	ssyncset.done $0x0  }
0x30: {  	s23 =	simm.s32 $0x150;
	s22 =	simm.s32 $0x380;
	[sflag:s10] =	ssyncadd.s32 $0xFFFFC800  }
.LBB2_2:
0x31: {  	[tilespmem:s16], [sflag:$0x2] =	stream.indirect.gather [hbm4b:s4+s14], $0x80, s23, s14, $0xb8;
	[tilespmem:$0x1FAC0] =	vst v63  }
0x32: {  	s23 =	smov.u32 s22  }
0x33: {  	p0 =	sne.s32 s22, $0x9680;
	s22 =	sadd.s32 $0x380, s22;
	_ =	swait.ge [sflag:s17], $0x3800  }
0x34: {  	s23 =	sshra.s32 s23, $0x2;
	[sflag:s17] =	ssyncset.done $0x0  }
0x35: {  	s24 =	sadd.s32 $0x2760, s23;
	[sflag:s17] =	ssyncadd.s32 $0xFFFFC800  }
0x36: {  	[spmem:s2] =	stream.indirect.scatter.add.f32 [tilespmem:s15], [sflag:$0x3], $0x80, s24, s14, $0xb8;
	[tilespmem:$0x1FAC0] =	vst v63  }
0x37: {  	_ =	swait.ge [sflag:s10], $0x3800  }
0x38: {  	[sflag:s10] =	ssyncset.done $0x0  }
0x39: {  	s24 =	sadd.s32 $0xE0, s23;
	[sflag:s10] =	ssyncadd.s32 $0xFFFFC800  }
0x3a: {  	[tilespmem:s15], [sflag:$0x1] =	stream.indirect.gather [hbm4b:s4+s14], $0x80, s24, s14, $0xb8;
	[tilespmem:$0x1FAC0] =	vst v63  }
0x3b: {  	_ =	swait.ge [sflag:s18], $0x3800  }
0x3c: {  	[sflag:s18] =	ssyncset.done $0x0  }
.Ltmp0:
0x3d: {  	s24 =	sadd.s32 $0x27D0, s23;
	[sflag:s18] =	ssyncadd.s32 $0xFFFFC800;
	(pc) =	sbr.rel @p0 .LBB2_2-.Ltmp0, $4  }
0x3e: {  	[spmem:s2] =	stream.indirect.scatter.add.f32 [tilespmem:s16], [sflag:$0x3], $0x80, s24, s14, $0xb8;
	[tilespmem:$0x1FAC0] =	vst v63  }
0x3f: {  	_ =	swait.ge [sflag:s10], $0x3800  }
0x40: {  	[sflag:s10] =	ssyncset.done $0x0  }
0x41: {  	s23 =	sadd.s32 $0x150, s23;
	[sflag:s10] =	ssyncadd.s32 $0xFFFFC800  }
0x42: {  	[tilespmem:s16], [sflag:$0x2] =	stream.indirect.gather [hbm4b:s4+s14], $0x80, s23, s14, $0xb8;
	[tilespmem:$0x1FAC0] =	vst v63  }
0x43: {  	_ =	swait.ge [sflag:s17], $0x3800  }
0x44: {  	[sflag:s17] =	ssyncset.done $0x0  }
0x45: {  	[sflag:s17] =	ssyncadd.s32 $0xFFFFC800  }
0x46: {  	[spmem:s2] =	stream.indirect.scatter.add.f32 [tilespmem:s15], [sflag:$0x3], $0x80, s19, s14, $0xb8;
	[tilespmem:$0x1FAC0] =	vst v63  }
0x47: {  	_ =	swait.ge [sflag:s10], $0x3800  }
0x48: {  	[sflag:s10] =	ssyncset.done $0x0  }
0x49: {  	[sflag:s10] =	ssyncadd.s32 $0xFFFFC800  }
0x4a: {  	[tilespmem:s15], [sflag:$0x1] =	stream.indirect.gather [hbm4b:s4+s14], $0x80, s3, s14, $0xb8;
	[tilespmem:$0x1FAC0] =	vst v63  }
0x4b: {  	_ =	swait.ge [sflag:s18], $0x3800  }
0x4c: {  	[sflag:s18] =	ssyncset.done $0x0  }
0x4d: {  	[sflag:s18] =	ssyncadd.s32 $0xFFFFC800  }
0x4e: {  	[spmem:s2] =	stream.indirect.scatter.add.f32 [tilespmem:s16], [sflag:$0x3], $0x80, s20, s14, $0xb8;
	[tilespmem:$0x1FAC0] =	vst v63  }
0x4f: {  	_ =	swait.ge [sflag:s10], $0x3800  }
0x50: {  	[sflag:s10] =	ssyncset.done $0x0  }
0x51: {  	[sflag:s10] =	ssyncadd.s32 $0xFFFFC800  }
0x52: {  	[tilespmem:s16], [sflag:$0x2] =	stream.indirect.gather [hbm4b:s4+s14], $0x80, s14, s14, $0xb8;
	[tilespmem:$0x1FAC0] =	vst v63  }
0x53: {  	_ =	swait.ge [sflag:s17], $0x3800  }
0x54: {  	[sflag:s17] =	ssyncset.done $0x0  }
0x55: {  	[sflag:s17] =	ssyncadd.s32 $0xFFFFC800  }
0x56: {  	_ =	swait.ge [sflag:s18], $0x3800  }
0x57: {  	s21 =	sadd.s32 $0x1, s21;
	[sflag:s18] =	ssyncset.done $0x0  }
0x58: {  	p0 =	sne.s32 s21, s8;
	[sflag:s18] =	ssyncadd.s32 $0xFFFFC800  }
.Ltmp1:
0x59: {  	[bflag:$0x0] =	sbarrier.arrive $0xFFFF;
	(pc) =	sbr.rel @p0 .LBB2_1-.Ltmp1, $4  }
0x5a: {  	[hbm:s9], [sflag:s12] =	dma.local [spmem:s13], $0x2780  }
0x5b: {  	_ =	swait.ge [sflag:s10], $0x2780  }
0x5c: {  	[sflag:s10] =	ssyncset.done $0x0  }
0x5d: {  	[sflag:s10] =	ssyncadd.s32 $0xFFFFD880  }
0x5e: {  	_ =	sfence.sel $0x180000  }
0x5f: {  	[bflag:$0x0] =	sbarrier.arrive $0xFFFF  }
0x60: {  	p0 =	sne.s32 s0, $0x0;
	_ =	strace $0x9000004D  }
0x61: {  	s0 =	sadd.s32 @!p0 $0x100000, s1;
	[bflag:$0x2] =	sbarrier.arrive $0xFFFF  }
0x62: {  	[sflag:s0] =	ssyncadd.tile.s32 @!p0 $0x1;
	_ =	shalt  }
.Lfunc_end2:
_tile_overlayer_lowered:
.L_overlay_start_2:
0x63: {  	(tag) =	ssettag $0x2  }
0x64: {  	s0 =	rddreg [dreg:$0x0];
	s2 =	stileid.u32  }
0x65: {  	s1 =	rddreg [dreg:$0x1];
	p0 =	sne.s32 s2, $0x0  }
0x66: {  	s3 =	rddreg [dreg:$0x2];
	[bflag:$0x3] =	sbarrier.arrive $0xFFFF;
	s2 =	simm.s32 @!p0 $0x1C03  }
0x67: {  	[timem:s3], [sflag:s2] =	dma.local @!p0 [hbm:s0], s1  }
0x68: {  	s0 =	simm.s32 @!p0 $0x3  }
0x69: {  	_ =	swait.ge @!p0 [sflag:s0], s1  }
0x6a: {  	s1 =	ssub.s32 @!p0 $0x0, s1;
	[sflag:s0] =	ssyncset.done @!p0 $0x0  }
0x6b: {  	[sflag:s0] =	ssyncadd.s32 @!p0 s1  }
0x6c: {  	[bflag:$0x3] =	sbarrier.arrive $0xFFFF  }
0x6d: {  	_ =	shalt  }

// kernel: kernel.8.cloned.1.call-start
scs
__scs_entry_jumppad:
0x0: {  	(pc) =	sbr.rel $0x88, $3  }
0x1: {  	(tag) =	ssettag $0x0;
	lr =	simm.s32 $0x1  }
0x2: {  	[smem:$0x3F97] =	sst lr;
	_ =	strace $0xD0000000  }
0x3: {  	_ = 	snop  }
0x4: {  	_ = 	snop  }
0x5: {  	_ = 	snop  }
0x6: {  	_ = 	snop  }
0x7: {  	_ = 	snop  }
__scs_overlays_trampoline_lowered:
0x8: {  	[smem:$0x3FA6] =	sst s0  }
0x9: {  	[smem:$0x3FA7] =	sst s1  }
0xa: {  	[smem:$0x3FA8] =	sst s2  }
0xb: {  	[smem:$0x3FA9] =	sst s3  }
0xc: {  	[smem:$0x3FAA] =	sst s4  }
0xd: {  	[smem:$0x3FAB] =	sst s5  }
0xe: {  	[smem:$0x3FAC] =	sst s6  }
0xf: {  	[smem:$0x3FAD] =	sst s7  }
0x10: {  	[smem:$0x3FAE] =	sst s8  }
0x11: {  	[smem:$0x3FAF] =	sst s9;
	s0 =	simm.s32 @!p0 $0x0  }
0x12: {  	s1 =	sld [smem:$0x3F95];
	s0 =	simm.s32 @p0 $0x1  }
0x13: {  	[smem:$0x3FB0] =	sst s0;
	s0 =	simm.s32 @!p1 $0x0  }
0x14: {  	s2 =	sld [smem:$0x3F94];
	s0 =	simm.s32 @p1 $0x1  }
0x15: {  	[smem:$0x3FB1] =	sst s0;
	s0 =	simm.s32 @!p2 $0x0  }
0x16: {  	s3 =	sld [smem:$0x3FDB];
	s0 =	simm.s32 @p2 $0x1  }
0x17: {  	s4 =	simm.s32 $0x1BF5;
	[smem:$0x3FB3] =	sst s0  }
0x18: {  	s0 =	sld [smem:$0x3F96];
	_ =	swait.ge [sflag:s4], $0x0  }
0x19: {  	s7 =	sld [smem:$0x3F97]  }
0x1a: {  	s8 =	sadd.s32 $0xFFFFE003, lr  }
0x1b: {  	s9 =	sadd.s32 $0xFFFFFEF7, lr;
	s5 =	simm.s32 $0xFFFFFFFF;
	p2 =	slt.u32 s8, $0xFFFFF086  }
0x1c: {  	p1 =	slt.u32 s9, $0xF7A;
	s5 =	simm.s32 @!p2 $0x0  }
0x1d: {  	s5 =	simm.s32 @p1 $0x1;
	p0 =	seq.s32 s7, s2  }
0x1e: {  	s7 =	smul.u32 @!p0 $0xF7A, s2;
	p2 =	seq.s32 @!p0 s5, $0x0  }
0x1f: {  	s9 =	smul.u32 $0xF7A, s1;
	s8 =	simm.s32 @!p0 $0x1BF5;
	p2 =	por !p2, p0  }
0x20: {  	[sflag:s8] =	ssyncset.s32 @!p0 $0xFFFFF086;
	s6 =	sadd.s32 @!p0 s3, s7;
	s7 =	simm.s32 @!p0 $0x108  }
0x21: {  	s3 =	sadd.s32 s3, s9;
	s6 =	sadd.s32 @!p0 $0x88, s6;
	s7 =	simm.s32 @p2 $0x1082  }
0x22: {  	[simem:s7], [sflag:s8] =	dma.local @!p0 [hbm:s6], $0xF7A  }
0x23: {  	s9 =	sor.u32 $0xD0000000, s2;
	s6 =	simm.s32 $0x108;
	_ =	swait.ge @!p0 [sflag:s8], $0x0  }
0x24: {  	s3 =	sadd.s32 $0x88, s3;
	s6 =	simm.s32 @!p1 $0x1082;
	[sflag:s4] =	ssyncset.s32 $0xFFFFF086  }
0x25: {  	[simem:s6], [sflag:s4] =	dma.local [hbm:s3], $0xF7A  }
0x26: {  	[smem:$0x3F97] =	sst s1;
	(tag) =	ssettag s2;
	_ =	strace s9  }
0x27: {  	s1 =	sld [smem:$0x3FA7]  }
0x28: {  	s2 =	sld [smem:$0x3FA8]  }
0x29: {  	s4 =	sld [smem:$0x3FAA]  }
0x2a: {  	p0 =	seq.s32 s5, $0x0;
	s5 =	sld [smem:$0x3FAB]  }
0x2b: {  	s6 =	sld [smem:$0x3FAC]  }
0x2c: {  	s7 =	sld [smem:$0x3FAD]  }
0x2d: {  	s3 =	simm.s32 $0x108;
	s8 =	sld [smem:$0x3FAE]  }
0x2e: {  	s3 =	simm.s32 @!p0 $0x1082;
	s9 =	sld [smem:$0x3FAF]  }
0x2f: {  	lr =	sadd.s32 s0, s3;
	s0 =	sld [smem:$0x3FA6]  }
0x30: {  	s3 =	sld [smem:$0x3FA9]  }
0x31: {  	[smem:$0x3FB2] =	sst s10  }
0x32: {  	s10 =	sld [smem:$0x3FB0];
	_ =	sdelay $0x3  }
0x33: {  	p0 =	seq.s32 s10, $0x1;
	s10 =	sld [smem:$0x3FB2];
	_ =	sdelay $0x3  }
0x34: {  	[smem:$0x3FB2] =	sst s10  }
0x35: {  	s10 =	sld [smem:$0x3FB1];
	_ =	sdelay $0x3  }
0x36: {  	p1 =	seq.s32 s10, $0x1;
	s10 =	sld [smem:$0x3FB2];
	_ =	sdelay $0x3  }
0x37: {  	[smem:$0x3FB2] =	sst s10  }
0x38: {  	s10 =	sld [smem:$0x3FB3]  }
0x39: {  	_ = 	snop;
	(pc) =	sbr.ind lr, $3  }
0x3a: {  	_ = 	snop  }
0x3b: {  	_ = 	snop  }
0x3c: {  	p2 =	seq.s32 s10, $0x1;
	s10 =	sld [smem:$0x3FB2]  }
0x3d: {  	_ =	shalt  }
0x3e: {  	_ =	shalt  }
0x3f: {  	_ =	shalt  }
0x40: {  	_ =	shalt  }
0x41: {  	_ =	shalt  }
0x42: {  	_ =	shalt  }
0x43: {  	_ =	shalt  }
0x44: {  	_ =	shalt  }
0x45: {  	_ =	shalt  }
0x46: {  	_ =	shalt  }
0x47: {  	_ =	shalt  }
0x48: {  	_ =	shalt  }
0x49: {  	_ =	shalt  }
0x4a: {  	_ =	shalt  }
0x4b: {  	_ =	shalt  }
0x4c: {  	_ =	shalt  }
0x4d: {  	_ =	shalt  }
0x4e: {  	_ =	shalt  }
0x4f: {  	_ =	shalt  }
0x50: {  	_ =	shalt  }
0x51: {  	_ =	shalt  }
0x52: {  	_ =	shalt  }
0x53: {  	_ =	shalt  }
0x54: {  	_ =	shalt  }
0x55: {  	_ =	shalt  }
0x56: {  	_ =	shalt  }
0x57: {  	_ =	shalt  }
0x58: {  	_ =	shalt  }
0x59: {  	_ =	shalt  }
0x5a: {  	_ =	shalt  }
0x5b: {  	_ =	shalt  }
0x5c: {  	_ =	shalt  }
0x5d: {  	_ =	shalt  }
0x5e: {  	_ =	shalt  }
0x5f: {  	_ =	shalt  }
0x60: {  	_ =	shalt  }
0x61: {  	_ =	shalt  }
0x62: {  	_ =	shalt  }
0x63: {  	_ =	shalt  }
0x64: {  	_ =	shalt  }
0x65: {  	_ =	shalt  }
0x66: {  	_ =	shalt  }
0x67: {  	_ =	shalt  }
0x68: {  	_ =	shalt  }
0x69: {  	_ =	shalt  }
0x6a: {  	_ =	shalt  }
0x6b: {  	_ =	shalt  }
0x6c: {  	_ =	shalt  }
0x6d: {  	_ =	shalt  }
0x6e: {  	_ =	shalt  }
0x6f: {  	_ =	shalt  }
0x70: {  	_ =	shalt  }
0x71: {  	_ =	shalt  }
0x72: {  	_ =	shalt  }
0x73: {  	_ =	shalt  }
0x74: {  	_ =	shalt  }
0x75: {  	_ =	shalt  }
0x76: {  	_ =	shalt  }
0x77: {  	_ =	shalt  }
0x78: {  	_ =	shalt  }
0x79: {  	_ =	shalt  }
0x7a: {  	_ =	shalt  }
0x7b: {  	_ =	shalt  }
0x7c: {  	_ =	shalt  }
0x7d: {  	_ =	shalt  }
0x7e: {  	_ =	shalt  }
0x7f: {  	_ =	shalt  }
0x80: {  	_ =	shalt  }
0x81: {  	_ =	shalt  }
0x82: {  	_ =	shalt  }
0x83: {  	_ =	shalt  }
0x84: {  	_ =	shalt  }
0x85: {  	_ =	shalt  }
0x86: {  	_ =	shalt  }
0x87: {  	_ =	shalt  }
.Lfunc_end0:
.L_simem_size_0:
called_computation_lowered:
.L_overlay_start_0:
0x88: {  	s2 =	sld [smem:$0x3FD9]  }
0x89: {  	s3 =	sld [smem:$0x3FFE];
	_ =	sdelay $0x1  }
0x8a: {  	s1 =	srdreg.scid  }
0x8b: {  	s0 =	sand.u32 $0x1, s1  }
0x8c: {  	s14 =	sshll.u32 s0, $0xA;
	s2 =	sadd.s32 s3, s2  }
0x8d: {  	s2 =	sadd.s32 s2, s14  }
0x8e: {  	[smem:$0x3FBE] =	sst s2  }
0x8f: {  	_ = 	snop  }
0x90: {  	s2 =	sld [smem:$0x3FD0];
	_ =	sdelay $0x2  }
0x91: {  	s15 =	simm.s32 $0xA;
	s4 =	simm.s32 $0x10  }
0x92: {  	[smem:s4], [sflag:s15] =	dma.local [hbm:s2], $0x1  }
0x93: {  	_ =	swait.eq [sflag:s15], $0x1  }
0x94: {  	[sflag:s15] =	ssyncset.done $0x0  }
0x95: {  	[sflag:s15] =	ssyncadd.s32 $0xFFFFFFFF  }
0x96: {  	s16 =	sld [smem:$0x11];
	(tm) =	ssettm $0x1  }
0x97: {  	s17 =	sld [smem:$0x3FFB];
	_ =	sdelay $0x3  }
0x98: {  	_ =	strace s17  }
0x99: {  	s3 =	sld [smem:$0x3FFC];
	_ =	sdelay $0x3  }
0x9a: {  	_ =	strace s3  }
0x9b: {  	s3 =	sld [smem:$0x3FFD];
	_ =	sdelay $0x3  }
0x9c: {  	_ =	strace s3  }
0x9d: {  	_ =	strace $0x8FFFFFFF  }
0x9e: {  	s18 =	sld [smem:$0x3FDB];
	_ =	sdelay $0x1  }
0x9f: {  	s19 =	simm.s32 $_scs_section_size  }
0xa0: {  	s5 =	simm.s32 $_size__tile_overlayer_lowered;
	s6 =	simm.s32 $_tile_overlayer_lowered  }
0xa1: {  	s22 =	simm.s32 $0x1BFF;
	s21 =	sshll.u32 s6, $0x1;
	s3 =	sadd.s32 s19, s18  }
0xa2: {  	s7 =	simm.s32 $0x0;
	s20 =	sshll.u32 s5, $0x1;
	s5 =	sadd.s32 s21, s3  }
0xa3: {  	[timem:s7], [sflag:s22] =	dma.local [hbm:s5], s20  }
0xa4: {  	_ =	swait.ge [sflag:s22], s20  }
0xa5: {  	s4 =	ssub.s32 $0x0, s20;
	[sflag:s22] =	ssyncset.done $0x0  }
0xa6: {  	[sflag:s22] =	ssyncadd.s32 s4;
	_ =	sdelay $0x1  }
0xa7: {  	s23 =	simm.s32 $0x1B8B  }
0xa8: {  	_ =	swait.ge [sflag:s23], $0x1  }
0xa9: {  	[sflag:s23] =	ssyncset.done $0x0  }
0xaa: {  	s25 =	simm.s32 $0x1B8E;
	s24 =	sld [smem:$0x3FFE];
	[sflag:s23] =	ssyncadd.s32 $0xFFFFFFFF  }
0xab: {  	s26 =	simm.s32 $execute0_lowered;
	[smem:$0x3FD2] =	sst s25  }
0xac: {  	s5 =	sshll.u32 s26, $0x1;
	_ =	strace $0x80000046;
	[dreg:$0x1] =	wrdreg $0xFFFFFFFF  }
0xad: {  	s28 =	simm.s32 $_size_execute0_lowered;
	s3 =	sadd.s32 s3, s5;
	[dreg:$0x0] =	wrdreg $0x0  }
0xae: {  	s5 =	sshll.u32 s28, $0x1;
	[dreg:$0x2] =	wrdreg s3  }
0xaf: {  	[dreg:$0x3] =	wrdreg s5  }
0xb0: {  	[dreg:$0x4] =	wrdreg $0xC0  }
0xb1: {  	_ =	task [dreg:s7], $0x5FFFF  }
0xb2: {  	[dreg:$0x1] =	wrdreg $0xFFFFFFFF  }
0xb3: {  	[dreg:$0x0] =	wrdreg $0x60  }
0xb4: {  	[dreg:$0x2] =	wrdreg s16  }
0xb5: {  	[dreg:$0x3] =	wrdreg s24  }
0xb6: {  	[dreg:$0x4] =	wrdreg $0x2A500  }
0xb7: {  	[dreg:$0x5] =	wrdreg $0x9  }
0xb8: {  	_ =	task.clear_ibuf [dreg:s7], $0x6FFFF;
	_ =	strace $0x90000046  }
0xb9: {  	s29 =	simm.s32 $0x9;
	_ =	strace $0x80000048  }
0xba: {  	_ =	swait.ge [sflag:s29], $0x1  }
0xbb: {  	[sflag:s29] =	ssyncadd.s32 $0xFFFFFFFF  }
0xbc: {  	_ =	strace $0x90000048  }
0xbd: {  	_ =	sfence  }
0xbe: {  	s30 =	sld [smem:$0x0];
	_ =	sdelay $0x2  }
0xbf: {  	s31 =	sshll.u32 s1, $0xD;
	s1 =	sshrl.u32 s1, $0x2  }
0xc0: {  	s3 =	sand.u32 $0x4000, s31;
	s1 =	sadd.s32 s1, s30  }
0xc1: {  	s0 =	sor.u32 s3, s0;
	s1 =	sshll.u32 s1, $0x11  }
0xc2: {  	s0 =	sor.u32 s1, s0  }
0xc3: {  	s0 =	sadd.s32 $0x8F2B, s0  }
0xc4: {  	[sflag:s0] =	ssyncadd.remote.s32 $0x1  }
0xc5: {  	_ =	sfence.sel $0xFFFF  }
0xc6: {  	[dreg:$0x0] =	wrdreg $0xFFFFFFFF;
	(pc) =	sbr.abs _section_cstart, $3  }
0xc7: {  	[dreg:$0x1] =	wrdreg $0xFFFFFFFF  }
0xc8: {  	_ =	task.clear_ibuf [dreg:s7], $0x2FFFF;
	_ =	strace $0x9FFFFFFF  }
0xc9: {  	(tm) =	ssettm $0x7FFFFFFF  }
tec
execute0_lowered:
.L_overlay_start_1:
0x0: {  	(tag) =	ssettag $0x1  }
0x1: {  	s4 =	rddreg [dreg:$0x0]  }
0x2: {  	s7 =	rddreg [dreg:$0x1]  }
0x3: {  	s0 =	srdreg.scid;
	s2 =	rddreg [dreg:$0x2]  }
0x4: {  	s1 =	stileid.u32;
	s3 =	simm.s32 $0x0;
	s11 =	simm.s32 $0x2760  }
0x5: {  	s14 =	simm.s32 $0x0;
	s5 =	sand.u32 $0x1, s0;
	s0 =	rddreg [dreg:$0x3]  }
0x6: {  	[smem:$0x7FF] =	sst s3;
	s10 =	smul.u32 $0x280, s1;
	s12 =	sshll.u32 s1, $0x6  }
0x7: {  	s6 =	sshll.u32 s5, $0x4;
	s8 =	ssub.s32 $0x2, s5;
	_ =	strace $0x80000047  }
0x8: {  	p0 =	seq.s32 s5, $0x1;
	s12 =	sor.u32 $0x1C01, s12;
	s6 =	sor.u32 s1, s6  }
0x9: {  	s9 =	sshrl.u32 s8, $0x1;
	s5 =	sadd.s32 s10, s2;
	s6 =	smul.u32 $0x4EC, s6  }
0xa: {  	s10 =	sshrl.u32 s10, $0x3;
	s8 =	ssub.s32 s8, s9;
	s9 =	simm.s32 $0x3800  }
0xb: {  	s13 =	sshrl.u32 s5, $0x3;
	s9 =	simm.s32 @!p0 $0x3E00;
	s4 =	sadd.s32 s4, s6  }
0xc: {  	s6 =	smax.u32 s8, $0x1;
	s7 =	sadd.s32 s9, s7;
	s8 =	simm.s32 $0x1  }
0xd: {  	v0 =	vimm.f32 $1.000000000e+00;
	v1 =	vimm.f32 $0.0e+00;
	s9 =	simm.s32 $0x27D0;
	s7 =	sadd.s32 s7, s10;
	s10 =	simm.s32 $0x70  }
.LBB2_1:
0xe: {  	[tilespmem:s3], [sflag:$0x1] =	stream.linear.gather [hbm4b:s4+s3], $0x2760, $0x38;
	[tilespmem:$0x2CD0] =	vst v63  }
0xf: {  	_ =	swait.ge [sflag:s8], $0x2760  }
0x10: {  	[sflag:s8] =	ssyncset.done $0x0  }
0x11: {  	[sflag:s8] =	ssyncadd.s32 $0xFFFFD8A0  }
0x12: {  	[tilespmem:$0x2760] =	vst v0  }
0x13: {  	[tilespmem:$0x2770] =	vst v0  }
0x14: {  	[tilespmem:$0x2780] =	vst v0  }
0x15: {  	[tilespmem:$0x2790] =	vst v0  }
0x16: {  	[tilespmem:$0x27A0] =	vst v0  }
0x17: {  	[tilespmem:$0x27B0] =	vst v0  }
0x18: {  	[tilespmem:$0x27C0] =	vst v0  }
0x19: {  	[tilespmem:$0x27D0] =	vst v1  }
0x1a: {  	[tilespmem:$0x27E0] =	vst v1  }
0x1b: {  	[tilespmem:$0x27F0] =	vst v1  }
0x1c: {  	[tilespmem:$0x2800] =	vst v1  }
0x1d: {  	[tilespmem:$0x2810] =	vst v1  }
0x1e: {  	[tilespmem:$0x2820] =	vst v1  }
0x1f: {  	[tilespmem:$0x2830] =	vst v1  }
0x20: {  	[tilespmem:$0x2840] =	vst v1  }
0x21: {  	[tilespmem:$0x2850] =	vst v1  }
0x22: {  	[tilespmem:$0x2860] =	vst v1  }
0x23: {  	[tilespmem:$0x2870] =	vst v1  }
0x24: {  	[tilespmem:$0x2880] =	vst v1  }
0x25: {  	[tilespmem:$0x2890] =	vst v1  }
0x26: {  	[tilespmem:$0x28A0] =	vst v1  }
0x27: {  	[tilespmem:$0x28B0] =	vst v1  }
0x28: {  	[tilespmem:$0x28C0] =	vst v1  }
0x29: {  	[tilespmem:$0x28D0] =	vst v1  }
0x2a: {  	[tilespmem:$0x28E0] =	vst v1  }
0x2b: {  	[tilespmem:$0x28F0] =	vst v1  }
0x2c: {  	[tilespmem:$0x2900] =	vst v1  }
0x2d: {  	[tilespmem:$0x2910] =	vst v1  }
0x2e: {  	[tilespmem:$0x2920] =	vst v1  }
0x2f: {  	[tilespmem:$0x2930] =	vst v1  }
0x30: {  	[tilespmem:$0x2940] =	vst v1  }
0x31: {  	[tilespmem:$0x2950] =	vst v1  }
0x32: {  	[tilespmem:$0x2960] =	vst v1  }
0x33: {  	[tilespmem:$0x2970] =	vst v1  }
0x34: {  	[tilespmem:$0x2980] =	vst v1  }
0x35: {  	[tilespmem:$0x2990] =	vst v1  }
0x36: {  	[tilespmem:$0x29A0] =	vst v1  }
0x37: {  	[tilespmem:$0x29B0] =	vst v1  }
0x38: {  	[tilespmem:$0x29C0] =	vst v1  }
0x39: {  	[tilespmem:$0x29D0] =	vst v1  }
0x3a: {  	[tilespmem:$0x29E0] =	vst v1  }
0x3b: {  	[tilespmem:$0x29F0] =	vst v1  }
0x3c: {  	[tilespmem:$0x2A00] =	vst v1  }
0x3d: {  	[tilespmem:$0x2A10] =	vst v1  }
0x3e: {  	[tilespmem:$0x2A20] =	vst v1  }
0x3f: {  	[tilespmem:$0x2A30] =	vst v1  }
0x40: {  	[tilespmem:$0x2A40] =	vst v1  }
0x41: {  	[spmem:s5] =	stream.linear.scatter [tilespmem:s9], [sflag:$0x1], $0x280, $0x38;
	[tilespmem:$0x2CD0] =	vst v63  }
0x42: {  	_ =	swait.ge [sflag:s8], $0x280  }
0x43: {  	[sflag:s8] =	ssyncset.done $0x0  }
0x44: {  	[sflag:s8] =	ssyncadd.s32 $0xFFFFFD80  }
0x45: {  	s15 =	simm.s32 $0x0;
	[bflag:$0x0] =	sbarrier.arrive $0xFFFF  }
0x46: {  	[spmem:s2] =	stream.indirect.scatter.add.f32 [tilespmem:s11], [sflag:$0x1], $0x1, s15, s10, $0xb8;
	[tilespmem:$0x2CD0] =	vst v63  }
0x47: {  	_ =	swait.ge [sflag:s8], $0x70  }
0x48: {  	s15 =	simm.s32 $0x1C0;
	[sflag:s8] =	ssyncset.done $0x0  }
.LBB2_2:
0x49: {  	s16 =	sshra.s32 s15, $0x2;
	[sflag:s8] =	ssyncadd.s32 $0xFFFFFF90;
	p0 =	sne.s32 s15, $0x9BC0  }
0x4a: {  	[spmem:s2] =	stream.indirect.scatter.add.f32 [tilespmem:s11], [sflag:$0x1], $0x1, s16, s10, $0xb8;
	[tilespmem:$0x2CD0] =	vst v63  }
.Ltmp0:
0x4b: {  	_ = 	snop;
	(pc) =	sbr.rel @p0 .LBB2_2-.Ltmp0, $4  }
0x4c: {  	_ = 	snop  }
0x4d: {  	s15 =	sadd.s32 $0x1C0, s15  }
0x4e: {  	_ =	swait.ge [sflag:s8], $0x70  }
0x4f: {  	[sflag:s8] =	ssyncset.done $0x0  }
0x50: {  	s14 =	sadd.s32 $0x1, s14  }
0x51: {  	[sflag:s8] =	ssyncadd.s32 $0xFFFFFF90;
	p0 =	sne.s32 s14, s6  }
.Ltmp1:
0x52: {  	[bflag:$0x0] =	sbarrier.arrive $0xFFFF;
	(pc) =	sbr.rel @p0 .LBB2_1-.Ltmp1, $4  }
0x53: {  	[hbm:s7], [sflag:s12] =	dma.local [spmem:s13], $0x50  }
0x54: {  	_ =	swait.ge [sflag:s8], $0x50  }
0x55: {  	[sflag:s8] =	ssyncset.done $0x0  }
0x56: {  	[sflag:s8] =	ssyncadd.s32 $0xFFFFFFB0  }
0x57: {  	_ =	sfence.sel $0x180000  }
0x58: {  	[bflag:$0x0] =	sbarrier.arrive $0xFFFF  }
0x59: {  	p0 =	sne.s32 s1, $0x0;
	_ =	strace $0x90000047  }
0x5a: {  	s0 =	sadd.s32 @!p0 $0x100000, s0;
	[bflag:$0x2] =	sbarrier.arrive $0xFFFF  }
0x5b: {  	[sflag:s0] =	ssyncadd.tile.s32 @!p0 $0x1;
	_ =	shalt  }
.Lfunc_end2:
_tile_overlayer_lowered:
.L_overlay_start_2:
0x5c: {  	(tag) =	ssettag $0x2  }
0x5d: {  	s0 =	rddreg [dreg:$0x0];
	s2 =	stileid.u32  }
0x5e: {  	s1 =	rddreg [dreg:$0x1];
	p0 =	sne.s32 s2, $0x0  }
0x5f: {  	s3 =	rddreg [dreg:$0x2];
	[bflag:$0x3] =	sbarrier.arrive $0xFFFF;
	s2 =	simm.s32 @!p0 $0x1C01  }
0x60: {  	[timem:s3], [sflag:s2] =	dma.local @!p0 [hbm:s0], s1  }
0x61: {  	s0 =	simm.s32 @!p0 $0x1  }
0x62: {  	_ =	swait.ge @!p0 [sflag:s0], s1  }
0x63: {  	s1 =	ssub.s32 @!p0 $0x0, s1;
	[sflag:s0] =	ssyncset.done @!p0 $0x0  }
0x64: {  	[sflag:s0] =	ssyncadd.s32 @!p0 s1  }
0x65: {  	[bflag:$0x3] =	sbarrier.arrive $0xFFFF  }
0x66: {  	_ =	shalt  }

</sc_bundles>
